<compile_context>
chip_gen: v7x
topology: tpu7x:2x2x1
jax: 0.10.2.dev20260603
libtpu: 0.0.44.dev20260713+nightly
codegen_flags: <defaults>
</compile_context>

<pallas_src>
import functools

import jax
import jax.numpy as jnp
from jax import lax
from jax.experimental import pallas as pl
from jax.experimental.pallas import tpu as pltpu
from jax.experimental.pallas import tpu_sc as plsc

BATCH = 4
SEQ = 8192
VOCAB = 8192
DIM = 1024

NUM_CORES = 2
NUM_SUBCORES = 16
NUM_WORKERS = NUM_CORES * NUM_SUBCORES
TOTAL = BATCH * SEQ
PER_WORKER = TOTAL // NUM_WORKERS
CHUNK = 16
NBUF = 6
LAG = 3
NUM_CHUNKS = PER_WORKER // CHUNK

_mesh = plsc.VectorSubcoreMesh(core_axis_name="c", subcore_axis_name="s")


@functools.partial(
    pl.kernel,
    mesh=_mesh,
    out_type=jax.ShapeDtypeStruct((TOTAL, DIM), jnp.float32),
    scratch_types=[
        pltpu.VMEM((PER_WORKER,), jnp.int32),
        pltpu.VMEM((NBUF, CHUNK, DIM), jnp.float32),
        pltpu.SemaphoreType.DMA,
        pltpu.SemaphoreType.DMA,
        pltpu.SemaphoreType.DMA,
        pltpu.SemaphoreType.DMA,
        pltpu.SemaphoreType.DMA,
        pltpu.SemaphoreType.DMA,
        pltpu.SemaphoreType.DMA,
        pltpu.SemaphoreType.DMA,
        pltpu.SemaphoreType.DMA,
        pltpu.SemaphoreType.DMA,
        pltpu.SemaphoreType.DMA,
        pltpu.SemaphoreType.DMA,
    ],
)
def _gather_rows(idx_hbm, table_hbm, out_hbm, idx_v, ring, *sems):
    gsems = sems[:NBUF]
    ssems = sems[NBUF:]
    wid = lax.axis_index("s") * NUM_CORES + lax.axis_index("c")
    base = wid * PER_WORKER
    pltpu.sync_copy(idx_hbm.at[pl.ds(base, PER_WORKER)], idx_v)

    def gather(chunk_id, b):
        pltpu.async_copy(
            table_hbm.at[idx_v.at[pl.ds(chunk_id * CHUNK, CHUNK)]],
            ring.at[b],
            gsems[b],
        )

    def wait_gather(b):
        pltpu.make_async_copy(
            table_hbm.at[idx_v.at[pl.ds(0, CHUNK)]], ring.at[b], gsems[b]
        ).wait()

    def store(chunk_id, b):
        pltpu.async_copy(
            ring.at[b],
            out_hbm.at[pl.ds(base + chunk_id * CHUNK, CHUNK)],
            ssems[b],
        )

    def wait_store(b):
        pltpu.make_async_copy(
            ring.at[b], out_hbm.at[pl.ds(base, CHUNK)], ssems[b]
        ).wait()

    for c in range(LAG):
        gather(c, c)

    def body(c, b, do_wait_store, do_gather):
        wait_gather(b)
        store(c, b)
        if do_wait_store:
            wait_store((b + NBUF - LAG) % NBUF)
        if do_gather:
            gather(c + LAG, (b + LAG) % NBUF)

    for c in range(LAG):
        body(c, c, False, True)

    @pl.loop(1, (NUM_CHUNKS - LAG - 1) // NBUF)
    def _steady(g):
        c0 = g * NBUF - LAG
        for b0 in range(NBUF):
            b = (b0 + LAG) % NBUF
            body(c0 + b0, b, True, True)

    steady_end = ((NUM_CHUNKS - LAG - 1) // NBUF) * NBUF - LAG
    for c in range(steady_end, NUM_CHUNKS):
        body(c, c % NBUF, True, c + LAG < NUM_CHUNKS)

    for c in range(NUM_CHUNKS - LAG, NUM_CHUNKS):
        wait_store(c % NBUF)


def kernel(position_ids, position_embeddings):
    idx = position_ids.reshape(-1)
    out = _gather_rows(idx, position_embeddings)
    return out.reshape(BATCH, SEQ, DIM)

# --- scband reference (transcript-rebuilt; emitter-appended) ---
"""Pipeline reference for scband-sinusoidal-position-encoding-40810779247284 (READ-ONLY COPY).

The authoritative reference and input builder live on the scoring server;
editing this copy changes nothing except your own understanding.
"""

import math
import jax, jax.numpy as jnp
import numpy as np

MAX_POSITION = 8192
EMBEDDING_SIZE = 1024
BATCH = 4
SEQ_LEN = 8192


def get_sinusoid_encoding_table(n_position, d_hid):
    position = np.arange(0, n_position, dtype=np.float32)[:, None]
    div_term = np.exp(np.arange(0, d_hid, 2).astype(np.float32) * (-math.log(10000.0) / d_hid))
    table = np.zeros((n_position, d_hid), dtype=np.float32)
    table[:, 0::2] = np.sin(position * div_term)
    table[:, 1::2] = np.cos(position * div_term)
    return jnp.asarray(table)


def setup_inputs(seed: int = 0) -> dict:
    key = jax.random.key(seed)
    k1, _ = jax.random.split(key)
    position_ids = jax.random.randint(k1, (BATCH, SEQ_LEN), 0, MAX_POSITION, dtype=jnp.int32)
    position_embeddings = get_sinusoid_encoding_table(MAX_POSITION, EMBEDDING_SIZE)
    return {"position_ids": position_ids, "position_embeddings": position_embeddings}


def reference(position_ids, position_embeddings):
    # nn.Embedding lookup: gather rows of the sinusoid table
    return jnp.take(position_embeddings, position_ids, axis=0)

if __name__ == "__main__":
    import jax
    _d = setup_inputs()
    print(jax.jit(kernel)(*tuple(_d.values())))

</pallas_src>

<mosaic_0001>
#map = affine_map<(d0, d1) -> (0)>
#map1 = affine_map<(d0, d1) -> (0, 0)>
module attributes {stable_mosaic.version = 14 : i64} {
  func.func @_gather_rows(%arg0: i32, %arg1: i32, %arg2: memref<32768xi32, #tpu.memory_space<hbm>>, %arg3: memref<8192x1024xf32, #tpu.memory_space<hbm>>, %arg4: memref<32768x1024xf32, #tpu.memory_space<hbm>>, %arg5: memref<1024xi32, #tpu.memory_space<vmem>>, %arg6: memref<6x16x1024xf32, #tpu.memory_space<vmem>>, %arg7: memref<!tpu.dma_semaphore, #tpu.memory_space<semaphore_mem>>, %arg8: memref<!tpu.dma_semaphore, #tpu.memory_space<semaphore_mem>>, %arg9: memref<!tpu.dma_semaphore, #tpu.memory_space<semaphore_mem>>, %arg10: memref<!tpu.dma_semaphore, #tpu.memory_space<semaphore_mem>>, %arg11: memref<!tpu.dma_semaphore, #tpu.memory_space<semaphore_mem>>, %arg12: memref<!tpu.dma_semaphore, #tpu.memory_space<semaphore_mem>>, %arg13: memref<!tpu.dma_semaphore, #tpu.memory_space<semaphore_mem>>, %arg14: memref<!tpu.dma_semaphore, #tpu.memory_space<semaphore_mem>>, %arg15: memref<!tpu.dma_semaphore, #tpu.memory_space<semaphore_mem>>, %arg16: memref<!tpu.dma_semaphore, #tpu.memory_space<semaphore_mem>>, %arg17: memref<!tpu.dma_semaphore, #tpu.memory_space<semaphore_mem>>, %arg18: memref<!tpu.dma_semaphore, #tpu.memory_space<semaphore_mem>>) attributes {dimension_semantics = [#tpu.dimension_semantics<core_parallel>, #tpu.dimension_semantics<subcore_parallel>], iteration_bounds = array<i64: 2, 16>, scalar_prefetch = 0 : i64, scratch_operands = 14 : i64, tpu.core_type = #tpu.core_type<sc_vector_subcore>, window_params = [{transform_indices = #map}, {transform_indices = #map1}, {transform_indices = #map1}]} {
    %mul3A = arith.constant 2 : i32
    %mul3A_0 = arith.muli %arg1, %mul3A : i32
    %add3A = arith.addi %mul3A_0, %arg0 : i32
    %mul3A_1 = arith.constant 1024 : i32
    %mul3A_2 = arith.muli %add3A, %mul3A_1 : i32
    "tpu.region"() ({
      %run_scoped3A = tpu.sem_alloc : memref<!tpu.dma_semaphore, #tpu.memory_space<semaphore_mem>>
      %dma_start3A_485 = tpu.memref_slice %arg2[%mul3A_2] : memref<32768xi32, #tpu.memory_space<hbm>> -> memref<1024xi32, #tpu.memory_space<hbm>>
      %dma_start3A_486 = tpu.memref_slice %arg2[%mul3A_2] : memref<32768xi32, #tpu.memory_space<hbm>> -> memref<1024xi32, #tpu.memory_space<hbm>>
      tpu.enqueue_dma source(%dma_start3A_486 : memref<1024xi32, #tpu.memory_space<hbm>>) target(%arg5 : memref<1024xi32, #tpu.memory_space<vmem>>) target_semaphore(%run_scoped3A : memref<!tpu.dma_semaphore, #tpu.memory_space<semaphore_mem>>)
      %dma_wait3A_487 = tpu.memref_slice %arg2[%mul3A_2] : memref<32768xi32, #tpu.memory_space<hbm>> -> memref<1024xi32, #tpu.memory_space<hbm>>
      %dma_wait3A_488 = tpu.memref_slice %arg2[%mul3A_2] : memref<32768xi32, #tpu.memory_space<hbm>> -> memref<1024xi32, #tpu.memory_space<hbm>>
      tpu.wait_dma2 semaphore(%run_scoped3A : memref<!tpu.dma_semaphore, #tpu.memory_space<semaphore_mem>>) src(%dma_wait3A_488 : memref<1024xi32, #tpu.memory_space<hbm>>) dst(%arg5 : memref<1024xi32, #tpu.memory_space<vmem>>)
      tpu.yield
    }) : () -> ()
    %dma_start3A = arith.constant 0 : i32
    %dma_start3A_3 = arith.constant 0 : i32
    %dma_start3A_4 = arith.constant 0 : i32
    %dma_start3A_5 = tpu.memref_slice %arg6[%dma_start3A, %dma_start3A_3, %dma_start3A_4] : memref<6x16x1024xf32, #tpu.memory_space<vmem>> -> memref<1x16x1024xf32, #tpu.memory_space<vmem>>
    %dma_start3A_6 = tpu.memref_squeeze %dma_start3A_5 : memref<1x16x1024xf32, #tpu.memory_space<vmem>> -> memref<16x1024xf32, #tpu.memory_space<vmem>>
    %dma_start3A_7 = arith.constant 0 : i32
    %dma_start3A_8 = tpu.memref_slice %arg5[%dma_start3A_7] : memref<1024xi32, #tpu.memory_space<vmem>> -> memref<16xi32, #tpu.memory_space<vmem>>
    %dma_start3A_9 = arith.constant 0 : i32
    %dma_start3A_10 = arith.constant 0 : i32
    %dma_start3A_11 = tpu.memref_slice %arg3[%dma_start3A_9, %dma_start3A_10] : memref<8192x1024xf32, #tpu.memory_space<hbm>> -> memref<8192x1024xf32, #tpu.memory_space<hbm>>
    tpu.enqueue_indirect_dma source(%dma_start3A_11 : memref<8192x1024xf32, #tpu.memory_space<hbm>>) target(%dma_start3A_6 : memref<16x1024xf32, #tpu.memory_space<vmem>>) offsets(%dma_start3A_8 : memref<16xi32, #tpu.memory_space<vmem>>) semaphore(%arg7 : memref<!tpu.dma_semaphore, #tpu.memory_space<semaphore_mem>>)
    %dma_start3A_12 = arith.constant 1 : i32
    %dma_start3A_13 = arith.constant 0 : i32
    %dma_start3A_14 = arith.constant 0 : i32
    %dma_start3A_15 = tpu.memref_slice %arg6[%dma_start3A_12, %dma_start3A_13, %dma_start3A_14] : memref<6x16x1024xf32, #tpu.memory_space<vmem>> -> memref<1x16x1024xf32, #tpu.memory_space<vmem>>
    %dma_start3A_16 = tpu.memref_squeeze %dma_start3A_15 : memref<1x16x1024xf32, #tpu.memory_space<vmem>> -> memref<16x1024xf32, #tpu.memory_space<vmem>>
    %dma_start3A_17 = arith.constant 16 : i32
    %dma_start3A_18 = tpu.memref_slice %arg5[%dma_start3A_17] : memref<1024xi32, #tpu.memory_space<vmem>> -> memref<16xi32, #tpu.memory_space<vmem>>
    %dma_start3A_19 = arith.constant 0 : i32
    %dma_start3A_20 = arith.constant 0 : i32
    %dma_start3A_21 = tpu.memref_slice %arg3[%dma_start3A_19, %dma_start3A_20] : memref<8192x1024xf32, #tpu.memory_space<hbm>> -> memref<8192x1024xf32, #tpu.memory_space<hbm>>
    tpu.enqueue_indirect_dma source(%dma_start3A_21 : memref<8192x1024xf32, #tpu.memory_space<hbm>>) target(%dma_start3A_16 : memref<16x1024xf32, #tpu.memory_space<vmem>>) offsets(%dma_start3A_18 : memref<16xi32, #tpu.memory_space<vmem>>) semaphore(%arg8 : memref<!tpu.dma_semaphore, #tpu.memory_space<semaphore_mem>>)
    %dma_start3A_22 = arith.constant 2 : i32
    %dma_start3A_23 = arith.constant 0 : i32
    %dma_start3A_24 = arith.constant 0 : i32
    %dma_start3A_25 = tpu.memref_slice %arg6[%dma_start3A_22, %dma_start3A_23, %dma_start3A_24] : memref<6x16x1024xf32, #tpu.memory_space<vmem>> -> memref<1x16x1024xf32, #tpu.memory_space<vmem>>
    %dma_start3A_26 = tpu.memref_squeeze %dma_start3A_25 : memref<1x16x1024xf32, #tpu.memory_space<vmem>> -> memref<16x1024xf32, #tpu.memory_space<vmem>>
    %dma_start3A_27 = arith.constant 32 : i32
    %dma_start3A_28 = tpu.memref_slice %arg5[%dma_start3A_27] : memref<1024xi32, #tpu.memory_space<vmem>> -> memref<16xi32, #tpu.memory_space<vmem>>
    %dma_start3A_29 = arith.constant 0 : i32
    %dma_start3A_30 = arith.constant 0 : i32
    %dma_start3A_31 = tpu.memref_slice %arg3[%dma_start3A_29, %dma_start3A_30] : memref<8192x1024xf32, #tpu.memory_space<hbm>> -> memref<8192x1024xf32, #tpu.memory_space<hbm>>
    tpu.enqueue_indirect_dma source(%dma_start3A_31 : memref<8192x1024xf32, #tpu.memory_space<hbm>>) target(%dma_start3A_26 : memref<16x1024xf32, #tpu.memory_space<vmem>>) offsets(%dma_start3A_28 : memref<16xi32, #tpu.memory_space<vmem>>) semaphore(%arg9 : memref<!tpu.dma_semaphore, #tpu.memory_space<semaphore_mem>>)
    %dma_wait3A = arith.constant 0 : i32
    %dma_wait3A_32 = arith.constant 0 : i32
    %dma_wait3A_33 = arith.constant 0 : i32
    %dma_wait3A_34 = tpu.memref_slice %arg6[%dma_wait3A, %dma_wait3A_32, %dma_wait3A_33] : memref<6x16x1024xf32, #tpu.memory_space<vmem>> -> memref<1x16x1024xf32, #tpu.memory_space<vmem>>
    %dma_wait3A_35 = tpu.memref_squeeze %dma_wait3A_34 : memref<1x16x1024xf32, #tpu.memory_space<vmem>> -> memref<16x1024xf32, #tpu.memory_space<vmem>>
    %dma_wait3A_36 = arith.constant 0 : i32
    %dma_wait3A_37 = tpu.memref_slice %arg5[%dma_wait3A_36] : memref<1024xi32, #tpu.memory_space<vmem>> -> memref<16xi32, #tpu.memory_space<vmem>>
    %dma_wait3A_38 = arith.constant 0 : i32
    %dma_wait3A_39 = arith.constant 0 : i32
    %dma_wait3A_40 = tpu.memref_slice %arg3[%dma_wait3A_38, %dma_wait3A_39] : memref<8192x1024xf32, #tpu.memory_space<hbm>> -> memref<8192x1024xf32, #tpu.memory_space<hbm>>
    tpu.wait_indirect_dma semaphore(%arg7 : memref<!tpu.dma_semaphore, #tpu.memory_space<semaphore_mem>>) src(%dma_wait3A_40 : memref<8192x1024xf32, #tpu.memory_space<hbm>>) dst(%dma_wait3A_35 : memref<16x1024xf32, #tpu.memory_space<vmem>>)
    %add3A_41 = arith.constant 0 : i32
    %add3A_42 = arith.addi %mul3A_2, %add3A_41 : i32
    %dma_start3A_43 = arith.constant 0 : i32
    %dma_start3A_44 = arith.constant 0 : i32
    %dma_start3A_45 = arith.constant 0 : i32
    %dma_start3A_46 = tpu.memref_slice %arg6[%dma_start3A_43, %dma_start3A_44, %dma_start3A_45] : memref<6x16x1024xf32, #tpu.memory_space<vmem>> -> memref<1x16x1024xf32, #tpu.memory_space<vmem>>
    %dma_start3A_47 = tpu.memref_squeeze %dma_start3A_46 : memref<1x16x1024xf32, #tpu.memory_space<vmem>> -> memref<16x1024xf32, #tpu.memory_space<vmem>>
    %dma_start3A_48 = arith.constant 0 : i32
    %dma_start3A_49 = tpu.memref_slice %arg4[%add3A_42, %dma_start3A_48] : memref<32768x1024xf32, #tpu.memory_space<hbm>> -> memref<16x1024xf32, #tpu.memory_space<hbm>>
    %dma_start3A_50 = arith.constant 0 : i32
    %dma_start3A_51 = tpu.memref_slice %arg4[%add3A_42, %dma_start3A_50] : memref<32768x1024xf32, #tpu.memory_space<hbm>> -> memref<16x1024xf32, #tpu.memory_space<hbm>>
    %dma_start3A_52 = arith.constant 0 : i32
    %dma_start3A_53 = arith.constant 0 : i32
    %dma_start3A_54 = tpu.memref_slice %arg6[%dma_start3A_43, %dma_start3A_52, %dma_start3A_53] : memref<6x16x1024xf32, #tpu.memory_space<vmem>> -> memref<1x16x1024xf32, #tpu.memory_space<vmem>>
    %dma_start3A_55 = tpu.memref_squeeze %dma_start3A_54 : memref<1x16x1024xf32, #tpu.memory_space<vmem>> -> memref<16x1024xf32, #tpu.memory_space<vmem>>
    tpu.enqueue_dma source(%dma_start3A_55 : memref<16x1024xf32, #tpu.memory_space<vmem>>) target(%dma_start3A_51 : memref<16x1024xf32, #tpu.memory_space<hbm>>) target_semaphore(%arg13 : memref<!tpu.dma_semaphore, #tpu.memory_space<semaphore_mem>>)
    %dma_start3A_56 = arith.constant 3 : i32
    %dma_start3A_57 = arith.constant 0 : i32
    %dma_start3A_58 = arith.constant 0 : i32
    %dma_start3A_59 = tpu.memref_slice %arg6[%dma_start3A_56, %dma_start3A_57, %dma_start3A_58] : memref<6x16x1024xf32, #tpu.memory_space<vmem>> -> memref<1x16x1024xf32, #tpu.memory_space<vmem>>
    %dma_start3A_60 = tpu.memref_squeeze %dma_start3A_59 : memref<1x16x1024xf32, #tpu.memory_space<vmem>> -> memref<16x1024xf32, #tpu.memory_space<vmem>>
    %dma_start3A_61 = arith.constant 48 : i32
    %dma_start3A_62 = tpu.memref_slice %arg5[%dma_start3A_61] : memref<1024xi32, #tpu.memory_space<vmem>> -> memref<16xi32, #tpu.memory_space<vmem>>
    %dma_start3A_63 = arith.constant 0 : i32
    %dma_start3A_64 = arith.constant 0 : i32
    %dma_start3A_65 = tpu.memref_slice %arg3[%dma_start3A_63, %dma_start3A_64] : memref<8192x1024xf32, #tpu.memory_space<hbm>> -> memref<8192x1024xf32, #tpu.memory_space<hbm>>
    tpu.enqueue_indirect_dma source(%dma_start3A_65 : memref<8192x1024xf32, #tpu.memory_space<hbm>>) target(%dma_start3A_60 : memref<16x1024xf32, #tpu.memory_space<vmem>>) offsets(%dma_start3A_62 : memref<16xi32, #tpu.memory_space<vmem>>) semaphore(%arg10 : memref<!tpu.dma_semaphore, #tpu.memory_space<semaphore_mem>>)
    %dma_wait3A_66 = arith.constant 1 : i32
    %dma_wait3A_67 = arith.constant 0 : i32
    %dma_wait3A_68 = arith.constant 0 : i32
    %dma_wait3A_69 = tpu.memref_slice %arg6[%dma_wait3A_66, %dma_wait3A_67, %dma_wait3A_68] : memref<6x16x1024xf32, #tpu.memory_space<vmem>> -> memref<1x16x1024xf32, #tpu.memory_space<vmem>>
    %dma_wait3A_70 = tpu.memref_squeeze %dma_wait3A_69 : memref<1x16x1024xf32, #tpu.memory_space<vmem>> -> memref<16x1024xf32, #tpu.memory_space<vmem>>
    %dma_wait3A_71 = arith.constant 0 : i32
    %dma_wait3A_72 = tpu.memref_slice %arg5[%dma_wait3A_71] : memref<1024xi32, #tpu.memory_space<vmem>> -> memref<16xi32, #tpu.memory_space<vmem>>
    %dma_wait3A_73 = arith.constant 0 : i32
    %dma_wait3A_74 = arith.constant 0 : i32
    %dma_wait3A_75 = tpu.memref_slice %arg3[%dma_wait3A_73, %dma_wait3A_74] : memref<8192x1024xf32, #tpu.memory_space<hbm>> -> memref<8192x1024xf32, #tpu.memory_space<hbm>>
    tpu.wait_indirect_dma semaphore(%arg8 : memref<!tpu.dma_semaphore, #tpu.memory_space<semaphore_mem>>) src(%dma_wait3A_75 : memref<8192x1024xf32, #tpu.memory_space<hbm>>) dst(%dma_wait3A_70 : memref<16x1024xf32, #tpu.memory_space<vmem>>)
    %add3A_76 = arith.constant 16 : i32
    %add3A_77 = arith.addi %mul3A_2, %add3A_76 : i32
    %dma_start3A_78 = arith.constant 1 : i32
    %dma_start3A_79 = arith.constant 0 : i32
    %dma_start3A_80 = arith.constant 0 : i32
    %dma_start3A_81 = tpu.memref_slice %arg6[%dma_start3A_78, %dma_start3A_79, %dma_start3A_80] : memref<6x16x1024xf32, #tpu.memory_space<vmem>> -> memref<1x16x1024xf32, #tpu.memory_space<vmem>>
    %dma_start3A_82 = tpu.memref_squeeze %dma_start3A_81 : memref<1x16x1024xf32, #tpu.memory_space<vmem>> -> memref<16x1024xf32, #tpu.memory_space<vmem>>
    %dma_start3A_83 = arith.constant 0 : i32
    %dma_start3A_84 = tpu.memref_slice %arg4[%add3A_77, %dma_start3A_83] : memref<32768x1024xf32, #tpu.memory_space<hbm>> -> memref<16x1024xf32, #tpu.memory_space<hbm>>
    %dma_start3A_85 = arith.constant 0 : i32
    %dma_start3A_86 = tpu.memref_slice %arg4[%add3A_77, %dma_start3A_85] : memref<32768x1024xf32, #tpu.memory_space<hbm>> -> memref<16x1024xf32, #tpu.memory_space<hbm>>
    %dma_start3A_87 = arith.constant 0 : i32
    %dma_start3A_88 = arith.constant 0 : i32
    %dma_start3A_89 = tpu.memref_slice %arg6[%dma_start3A_78, %dma_start3A_87, %dma_start3A_88] : memref<6x16x1024xf32, #tpu.memory_space<vmem>> -> memref<1x16x1024xf32, #tpu.memory_space<vmem>>
    %dma_start3A_90 = tpu.memref_squeeze %dma_start3A_89 : memref<1x16x1024xf32, #tpu.memory_space<vmem>> -> memref<16x1024xf32, #tpu.memory_space<vmem>>
    tpu.enqueue_dma source(%dma_start3A_90 : memref<16x1024xf32, #tpu.memory_space<vmem>>) target(%dma_start3A_86 : memref<16x1024xf32, #tpu.memory_space<hbm>>) target_semaphore(%arg14 : memref<!tpu.dma_semaphore, #tpu.memory_space<semaphore_mem>>)
    %dma_start3A_91 = arith.constant 4 : i32
    %dma_start3A_92 = arith.constant 0 : i32
    %dma_start3A_93 = arith.constant 0 : i32
    %dma_start3A_94 = tpu.memref_slice %arg6[%dma_start3A_91, %dma_start3A_92, %dma_start3A_93] : memref<6x16x1024xf32, #tpu.memory_space<vmem>> -> memref<1x16x1024xf32, #tpu.memory_space<vmem>>
    %dma_start3A_95 = tpu.memref_squeeze %dma_start3A_94 : memref<1x16x1024xf32, #tpu.memory_space<vmem>> -> memref<16x1024xf32, #tpu.memory_space<vmem>>
    %dma_start3A_96 = arith.constant 64 : i32
    %dma_start3A_97 = tpu.memref_slice %arg5[%dma_start3A_96] : memref<1024xi32, #tpu.memory_space<vmem>> -> memref<16xi32, #tpu.memory_space<vmem>>
    %dma_start3A_98 = arith.constant 0 : i32
    %dma_start3A_99 = arith.constant 0 : i32
    %dma_start3A_100 = tpu.memref_slice %arg3[%dma_start3A_98, %dma_start3A_99] : memref<8192x1024xf32, #tpu.memory_space<hbm>> -> memref<8192x1024xf32, #tpu.memory_space<hbm>>
    tpu.enqueue_indirect_dma source(%dma_start3A_100 : memref<8192x1024xf32, #tpu.memory_space<hbm>>) target(%dma_start3A_95 : memref<16x1024xf32, #tpu.memory_space<vmem>>) offsets(%dma_start3A_97 : memref<16xi32, #tpu.memory_space<vmem>>) semaphore(%arg11 : memref<!tpu.dma_semaphore, #tpu.memory_space<semaphore_mem>>)
    %dma_wait3A_101 = arith.constant 2 : i32
    %dma_wait3A_102 = arith.constant 0 : i32
    %dma_wait3A_103 = arith.constant 0 : i32
    %dma_wait3A_104 = tpu.memref_slice %arg6[%dma_wait3A_101, %dma_wait3A_102, %dma_wait3A_103] : memref<6x16x1024xf32, #tpu.memory_space<vmem>> -> memref<1x16x1024xf32, #tpu.memory_space<vmem>>
    %dma_wait3A_105 = tpu.memref_squeeze %dma_wait3A_104 : memref<1x16x1024xf32, #tpu.memory_space<vmem>> -> memref<16x1024xf32, #tpu.memory_space<vmem>>
    %dma_wait3A_106 = arith.constant 0 : i32
    %dma_wait3A_107 = tpu.memref_slice %arg5[%dma_wait3A_106] : memref<1024xi32, #tpu.memory_space<vmem>> -> memref<16xi32, #tpu.memory_space<vmem>>
    %dma_wait3A_108 = arith.constant 0 : i32
    %dma_wait3A_109 = arith.constant 0 : i32
    %dma_wait3A_110 = tpu.memref_slice %arg3[%dma_wait3A_108, %dma_wait3A_109] : memref<8192x1024xf32, #tpu.memory_space<hbm>> -> memref<8192x1024xf32, #tpu.memory_space<hbm>>
    tpu.wait_indirect_dma semaphore(%arg9 : memref<!tpu.dma_semaphore, #tpu.memory_space<semaphore_mem>>) src(%dma_wait3A_110 : memref<8192x1024xf32, #tpu.memory_space<hbm>>) dst(%dma_wait3A_105 : memref<16x1024xf32, #tpu.memory_space<vmem>>)
    %add3A_111 = arith.constant 32 : i32
    %add3A_112 = arith.addi %mul3A_2, %add3A_111 : i32
    %dma_start3A_113 = arith.constant 2 : i32
    %dma_start3A_114 = arith.constant 0 : i32
    %dma_start3A_115 = arith.constant 0 : i32
    %dma_start3A_116 = tpu.memref_slice %arg6[%dma_start3A_113, %dma_start3A_114, %dma_start3A_115] : memref<6x16x1024xf32, #tpu.memory_space<vmem>> -> memref<1x16x1024xf32, #tpu.memory_space<vmem>>
    %dma_start3A_117 = tpu.memref_squeeze %dma_start3A_116 : memref<1x16x1024xf32, #tpu.memory_space<vmem>> -> memref<16x1024xf32, #tpu.memory_space<vmem>>
    %dma_start3A_118 = arith.constant 0 : i32
    %dma_start3A_119 = tpu.memref_slice %arg4[%add3A_112, %dma_start3A_118] : memref<32768x1024xf32, #tpu.memory_space<hbm>> -> memref<16x1024xf32, #tpu.memory_space<hbm>>
    %dma_start3A_120 = arith.constant 0 : i32
    %dma_start3A_121 = tpu.memref_slice %arg4[%add3A_112, %dma_start3A_120] : memref<32768x1024xf32, #tpu.memory_space<hbm>> -> memref<16x1024xf32, #tpu.memory_space<hbm>>
    %dma_start3A_122 = arith.constant 0 : i32
    %dma_start3A_123 = arith.constant 0 : i32
    %dma_start3A_124 = tpu.memref_slice %arg6[%dma_start3A_113, %dma_start3A_122, %dma_start3A_123] : memref<6x16x1024xf32, #tpu.memory_space<vmem>> -> memref<1x16x1024xf32, #tpu.memory_space<vmem>>
    %dma_start3A_125 = tpu.memref_squeeze %dma_start3A_124 : memref<1x16x1024xf32, #tpu.memory_space<vmem>> -> memref<16x1024xf32, #tpu.memory_space<vmem>>
    tpu.enqueue_dma source(%dma_start3A_125 : memref<16x1024xf32, #tpu.memory_space<vmem>>) target(%dma_start3A_121 : memref<16x1024xf32, #tpu.memory_space<hbm>>) target_semaphore(%arg15 : memref<!tpu.dma_semaphore, #tpu.memory_space<semaphore_mem>>)
    %dma_start3A_126 = arith.constant 5 : i32
    %dma_start3A_127 = arith.constant 0 : i32
    %dma_start3A_128 = arith.constant 0 : i32
    %dma_start3A_129 = tpu.memref_slice %arg6[%dma_start3A_126, %dma_start3A_127, %dma_start3A_128] : memref<6x16x1024xf32, #tpu.memory_space<vmem>> -> memref<1x16x1024xf32, #tpu.memory_space<vmem>>
    %dma_start3A_130 = tpu.memref_squeeze %dma_start3A_129 : memref<1x16x1024xf32, #tpu.memory_space<vmem>> -> memref<16x1024xf32, #tpu.memory_space<vmem>>
    %dma_start3A_131 = arith.constant 80 : i32
    %dma_start3A_132 = tpu.memref_slice %arg5[%dma_start3A_131] : memref<1024xi32, #tpu.memory_space<vmem>> -> memref<16xi32, #tpu.memory_space<vmem>>
    %dma_start3A_133 = arith.constant 0 : i32
    %dma_start3A_134 = arith.constant 0 : i32
    %dma_start3A_135 = tpu.memref_slice %arg3[%dma_start3A_133, %dma_start3A_134] : memref<8192x1024xf32, #tpu.memory_space<hbm>> -> memref<8192x1024xf32, #tpu.memory_space<hbm>>
    tpu.enqueue_indirect_dma source(%dma_start3A_135 : memref<8192x1024xf32, #tpu.memory_space<hbm>>) target(%dma_start3A_130 : memref<16x1024xf32, #tpu.memory_space<vmem>>) offsets(%dma_start3A_132 : memref<16xi32, #tpu.memory_space<vmem>>) semaphore(%arg12 : memref<!tpu.dma_semaphore, #tpu.memory_space<semaphore_mem>>)
    %scan3A = arith.constant 0 : i32
    %scan3A_136 = arith.constant 9 : i32
    %scan3A_137 = arith.addi %scan3A, %scan3A_136 : i32
    %scan3A_138 = arith.constant 1 : i32
    scf.for %scan3A_485 = %scan3A to %scan3A_137 step %scan3A_138  : i32 {
      %mul3A_486 = arith.constant 1 : i32
      %mul3A_487 = arith.muli %scan3A_485, %mul3A_486 : i32
      %add3A_488 = arith.constant 1 : i32
      %add3A_489 = arith.addi %add3A_488, %mul3A_487 : i32
      %mul3A_490 = arith.constant 6 : i32
      %mul3A_491 = arith.muli %add3A_489, %mul3A_490 : i32
      %sub3A = arith.constant 3 : i32
      %sub3A_492 = arith.subi %mul3A_491, %sub3A : i32
      %add3A_493 = arith.constant 0 : i32
      %add3A_494 = arith.addi %sub3A_492, %add3A_493 : i32
      %dma_wait3A_495 = arith.constant 3 : i32
      %dma_wait3A_496 = arith.constant 0 : i32
      %dma_wait3A_497 = arith.constant 0 : i32
      %dma_wait3A_498 = tpu.memref_slice %arg6[%dma_wait3A_495, %dma_wait3A_496, %dma_wait3A_497] : memref<6x16x1024xf32, #tpu.memory_space<vmem>> -> memref<1x16x1024xf32, #tpu.memory_space<vmem>>
      %dma_wait3A_499 = tpu.memref_squeeze %dma_wait3A_498 : memref<1x16x1024xf32, #tpu.memory_space<vmem>> -> memref<16x1024xf32, #tpu.memory_space<vmem>>
      %dma_wait3A_500 = arith.constant 0 : i32
      %dma_wait3A_501 = tpu.memref_slice %arg5[%dma_wait3A_500] : memref<1024xi32, #tpu.memory_space<vmem>> -> memref<16xi32, #tpu.memory_space<vmem>>
      %dma_wait3A_502 = arith.constant 0 : i32
      %dma_wait3A_503 = arith.constant 0 : i32
      %dma_wait3A_504 = tpu.memref_slice %arg3[%dma_wait3A_502, %dma_wait3A_503] : memref<8192x1024xf32, #tpu.memory_space<hbm>> -> memref<8192x1024xf32, #tpu.memory_space<hbm>>
      tpu.wait_indirect_dma semaphore(%arg10 : memref<!tpu.dma_semaphore, #tpu.memory_space<semaphore_mem>>) src(%dma_wait3A_504 : memref<8192x1024xf32, #tpu.memory_space<hbm>>) dst(%dma_wait3A_499 : memref<16x1024xf32, #tpu.memory_space<vmem>>)
      %mul3A_505 = arith.constant 16 : i32
      %mul3A_506 = arith.muli %add3A_494, %mul3A_505 : i32
      %add3A_507 = arith.addi %mul3A_2, %mul3A_506 : i32
      %dma_start3A_508 = arith.constant 3 : i32
      %dma_start3A_509 = arith.constant 0 : i32
      %dma_start3A_510 = arith.constant 0 : i32
      %dma_start3A_511 = tpu.memref_slice %arg6[%dma_start3A_508, %dma_start3A_509, %dma_start3A_510] : memref<6x16x1024xf32, #tpu.memory_space<vmem>> -> memref<1x16x1024xf32, #tpu.memory_space<vmem>>
      %dma_start3A_512 = tpu.memref_squeeze %dma_start3A_511 : memref<1x16x1024xf32, #tpu.memory_space<vmem>> -> memref<16x1024xf32, #tpu.memory_space<vmem>>
      %dma_start3A_513 = arith.constant 0 : i32
      %dma_start3A_514 = tpu.memref_slice %arg4[%add3A_507, %dma_start3A_513] : memref<32768x1024xf32, #tpu.memory_space<hbm>> -> memref<16x1024xf32, #tpu.memory_space<hbm>>
      %dma_start3A_515 = arith.constant 0 : i32
      %dma_start3A_516 = tpu.memref_slice %arg4[%add3A_507, %dma_start3A_515] : memref<32768x1024xf32, #tpu.memory_space<hbm>> -> memref<16x1024xf32, #tpu.memory_space<hbm>>
      %dma_start3A_517 = arith.constant 0 : i32
      %dma_start3A_518 = arith.constant 0 : i32
      %dma_start3A_519 = tpu.memref_slice %arg6[%dma_start3A_508, %dma_start3A_517, %dma_start3A_518] : memref<6x16x1024xf32, #tpu.memory_space<vmem>> -> memref<1x16x1024xf32, #tpu.memory_space<vmem>>
      %dma_start3A_520 = tpu.memref_squeeze %dma_start3A_519 : memref<1x16x1024xf32, #tpu.memory_space<vmem>> -> memref<16x1024xf32, #tpu.memory_space<vmem>>
      tpu.enqueue_dma source(%dma_start3A_520 : memref<16x1024xf32, #tpu.memory_space<vmem>>) target(%dma_start3A_516 : memref<16x1024xf32, #tpu.memory_space<hbm>>) target_semaphore(%arg16 : memref<!tpu.dma_semaphore, #tpu.memory_space<semaphore_mem>>)
      %dma_wait3A_521 = arith.constant 0 : i32
      %dma_wait3A_522 = arith.constant 0 : i32
      %dma_wait3A_523 = arith.constant 0 : i32
      %dma_wait3A_524 = tpu.memref_slice %arg6[%dma_wait3A_521, %dma_wait3A_522, %dma_wait3A_523] : memref<6x16x1024xf32, #tpu.memory_space<vmem>> -> memref<1x16x1024xf32, #tpu.memory_space<vmem>>
      %dma_wait3A_525 = tpu.memref_squeeze %dma_wait3A_524 : memref<1x16x1024xf32, #tpu.memory_space<vmem>> -> memref<16x1024xf32, #tpu.memory_space<vmem>>
      %dma_wait3A_526 = arith.constant 0 : i32
      %dma_wait3A_527 = tpu.memref_slice %arg4[%mul3A_2, %dma_wait3A_526] : memref<32768x1024xf32, #tpu.memory_space<hbm>> -> memref<16x1024xf32, #tpu.memory_space<hbm>>
      %dma_wait3A_528 = arith.constant 0 : i32
      %dma_wait3A_529 = tpu.memref_slice %arg4[%mul3A_2, %dma_wait3A_528] : memref<32768x1024xf32, #tpu.memory_space<hbm>> -> memref<16x1024xf32, #tpu.memory_space<hbm>>
      %dma_wait3A_530 = arith.constant 0 : i32
      %dma_wait3A_531 = arith.constant 0 : i32
      %dma_wait3A_532 = tpu.memref_slice %arg6[%dma_wait3A_521, %dma_wait3A_530, %dma_wait3A_531] : memref<6x16x1024xf32, #tpu.memory_space<vmem>> -> memref<1x16x1024xf32, #tpu.memory_space<vmem>>
      %dma_wait3A_533 = tpu.memref_squeeze %dma_wait3A_532 : memref<1x16x1024xf32, #tpu.memory_space<vmem>> -> memref<16x1024xf32, #tpu.memory_space<vmem>>
      tpu.wait_dma2 semaphore(%arg13 : memref<!tpu.dma_semaphore, #tpu.memory_space<semaphore_mem>>) src(%dma_wait3A_533 : memref<16x1024xf32, #tpu.memory_space<vmem>>) dst(%dma_wait3A_529 : memref<16x1024xf32, #tpu.memory_space<hbm>>)
      %add3A_534 = arith.constant 3 : i32
      %add3A_535 = arith.addi %add3A_494, %add3A_534 : i32
      %mul3A_536 = arith.constant 16 : i32
      %mul3A_537 = arith.muli %add3A_535, %mul3A_536 : i32
      %dma_start3A_538 = arith.constant 0 : i32
      %dma_start3A_539 = arith.constant 0 : i32
      %dma_start3A_540 = arith.constant 0 : i32
      %dma_start3A_541 = tpu.memref_slice %arg6[%dma_start3A_538, %dma_start3A_539, %dma_start3A_540] : memref<6x16x1024xf32, #tpu.memory_space<vmem>> -> memref<1x16x1024xf32, #tpu.memory_space<vmem>>
      %dma_start3A_542 = tpu.memref_squeeze %dma_start3A_541 : memref<1x16x1024xf32, #tpu.memory_space<vmem>> -> memref<16x1024xf32, #tpu.memory_space<vmem>>
      %dma_start3A_543 = tpu.memref_slice %arg5[%mul3A_537] : memref<1024xi32, #tpu.memory_space<vmem>> -> memref<16xi32, #tpu.memory_space<vmem>>
      %dma_start3A_544 = arith.constant 0 : i32
      %dma_start3A_545 = arith.constant 0 : i32
      %dma_start3A_546 = tpu.memref_slice %arg3[%dma_start3A_544, %dma_start3A_545] : memref<8192x1024xf32, #tpu.memory_space<hbm>> -> memref<8192x1024xf32, #tpu.memory_space<hbm>>
      tpu.enqueue_indirect_dma source(%dma_start3A_546 : memref<8192x1024xf32, #tpu.memory_space<hbm>>) target(%dma_start3A_542 : memref<16x1024xf32, #tpu.memory_space<vmem>>) offsets(%dma_start3A_543 : memref<16xi32, #tpu.memory_space<vmem>>) semaphore(%arg7 : memref<!tpu.dma_semaphore, #tpu.memory_space<semaphore_mem>>)
      %add3A_547 = arith.constant 1 : i32
      %add3A_548 = arith.addi %sub3A_492, %add3A_547 : i32
      %dma_wait3A_549 = arith.constant 4 : i32
      %dma_wait3A_550 = arith.constant 0 : i32
      %dma_wait3A_551 = arith.constant 0 : i32
      %dma_wait3A_552 = tpu.memref_slice %arg6[%dma_wait3A_549, %dma_wait3A_550, %dma_wait3A_551] : memref<6x16x1024xf32, #tpu.memory_space<vmem>> -> memref<1x16x1024xf32, #tpu.memory_space<vmem>>
      %dma_wait3A_553 = tpu.memref_squeeze %dma_wait3A_552 : memref<1x16x1024xf32, #tpu.memory_space<vmem>> -> memref<16x1024xf32, #tpu.memory_space<vmem>>
      %dma_wait3A_554 = arith.constant 0 : i32
      %dma_wait3A_555 = tpu.memref_slice %arg5[%dma_wait3A_554] : memref<1024xi32, #tpu.memory_space<vmem>> -> memref<16xi32, #tpu.memory_space<vmem>>
      %dma_wait3A_556 = arith.constant 0 : i32
      %dma_wait3A_557 = arith.constant 0 : i32
      %dma_wait3A_558 = tpu.memref_slice %arg3[%dma_wait3A_556, %dma_wait3A_557] : memref<8192x1024xf32, #tpu.memory_space<hbm>> -> memref<8192x1024xf32, #tpu.memory_space<hbm>>
      tpu.wait_indirect_dma semaphore(%arg11 : memref<!tpu.dma_semaphore, #tpu.memory_space<semaphore_mem>>) src(%dma_wait3A_558 : memref<8192x1024xf32, #tpu.memory_space<hbm>>) dst(%dma_wait3A_553 : memref<16x1024xf32, #tpu.memory_space<vmem>>)
      %mul3A_559 = arith.constant 16 : i32
      %mul3A_560 = arith.muli %add3A_548, %mul3A_559 : i32
      %add3A_561 = arith.addi %mul3A_2, %mul3A_560 : i32
      %dma_start3A_562 = arith.constant 4 : i32
      %dma_start3A_563 = arith.constant 0 : i32
      %dma_start3A_564 = arith.constant 0 : i32
      %dma_start3A_565 = tpu.memref_slice %arg6[%dma_start3A_562, %dma_start3A_563, %dma_start3A_564] : memref<6x16x1024xf32, #tpu.memory_space<vmem>> -> memref<1x16x1024xf32, #tpu.memory_space<vmem>>
      %dma_start3A_566 = tpu.memref_squeeze %dma_start3A_565 : memref<1x16x1024xf32, #tpu.memory_space<vmem>> -> memref<16x1024xf32, #tpu.memory_space<vmem>>
      %dma_start3A_567 = arith.constant 0 : i32
      %dma_start3A_568 = tpu.memref_slice %arg4[%add3A_561, %dma_start3A_567] : memref<32768x1024xf32, #tpu.memory_space<hbm>> -> memref<16x1024xf32, #tpu.memory_space<hbm>>
      %dma_start3A_569 = arith.constant 0 : i32
      %dma_start3A_570 = tpu.memref_slice %arg4[%add3A_561, %dma_start3A_569] : memref<32768x1024xf32, #tpu.memory_space<hbm>> -> memref<16x1024xf32, #tpu.memory_space<hbm>>
      %dma_start3A_571 = arith.constant 0 : i32
      %dma_start3A_572 = arith.constant 0 : i32
      %dma_start3A_573 = tpu.memref_slice %arg6[%dma_start3A_562, %dma_start3A_571, %dma_start3A_572] : memref<6x16x1024xf32, #tpu.memory_space<vmem>> -> memref<1x16x1024xf32, #tpu.memory_space<vmem>>
      %dma_start3A_574 = tpu.memref_squeeze %dma_start3A_573 : memref<1x16x1024xf32, #tpu.memory_space<vmem>> -> memref<16x1024xf32, #tpu.memory_space<vmem>>
      tpu.enqueue_dma source(%dma_start3A_574 : memref<16x1024xf32, #tpu.memory_space<vmem>>) target(%dma_start3A_570 : memref<16x1024xf32, #tpu.memory_space<hbm>>) target_semaphore(%arg17 : memref<!tpu.dma_semaphore, #tpu.memory_space<semaphore_mem>>)
      %dma_wait3A_575 = arith.constant 1 : i32
      %dma_wait3A_576 = arith.constant 0 : i32
      %dma_wait3A_577 = arith.constant 0 : i32
      %dma_wait3A_578 = tpu.memref_slice %arg6[%dma_wait3A_575, %dma_wait3A_576, %dma_wait3A_577] : memref<6x16x1024xf32, #tpu.memory_space<vmem>> -> memref<1x16x1024xf32, #tpu.memory_space<vmem>>
      %dma_wait3A_579 = tpu.memref_squeeze %dma_wait3A_578 : memref<1x16x1024xf32, #tpu.memory_space<vmem>> -> memref<16x1024xf32, #tpu.memory_space<vmem>>
      %dma_wait3A_580 = arith.constant 0 : i32
      %dma_wait3A_581 = tpu.memref_slice %arg4[%mul3A_2, %dma_wait3A_580] : memref<32768x1024xf32, #tpu.memory_space<hbm>> -> memref<16x1024xf32, #tpu.memory_space<hbm>>
      %dma_wait3A_582 = arith.constant 0 : i32
      %dma_wait3A_583 = tpu.memref_slice %arg4[%mul3A_2, %dma_wait3A_582] : memref<32768x1024xf32, #tpu.memory_space<hbm>> -> memref<16x1024xf32, #tpu.memory_space<hbm>>
      %dma_wait3A_584 = arith.constant 0 : i32
      %dma_wait3A_585 = arith.constant 0 : i32
      %dma_wait3A_586 = tpu.memref_slice %arg6[%dma_wait3A_575, %dma_wait3A_584, %dma_wait3A_585] : memref<6x16x1024xf32, #tpu.memory_space<vmem>> -> memref<1x16x1024xf32, #tpu.memory_space<vmem>>
      %dma_wait3A_587 = tpu.memref_squeeze %dma_wait3A_586 : memref<1x16x1024xf32, #tpu.memory_space<vmem>> -> memref<16x1024xf32, #tpu.memory_space<vmem>>
      tpu.wait_dma2 semaphore(%arg14 : memref<!tpu.dma_semaphore, #tpu.memory_space<semaphore_mem>>) src(%dma_wait3A_587 : memref<16x1024xf32, #tpu.memory_space<vmem>>) dst(%dma_wait3A_583 : memref<16x1024xf32, #tpu.memory_space<hbm>>)
      %add3A_588 = arith.constant 3 : i32
      %add3A_589 = arith.addi %add3A_548, %add3A_588 : i32
      %mul3A_590 = arith.constant 16 : i32
      %mul3A_591 = arith.muli %add3A_589, %mul3A_590 : i32
      %dma_start3A_592 = arith.constant 1 : i32
      %dma_start3A_593 = arith.constant 0 : i32
      %dma_start3A_594 = arith.constant 0 : i32
      %dma_start3A_595 = tpu.memref_slice %arg6[%dma_start3A_592, %dma_start3A_593, %dma_start3A_594] : memref<6x16x1024xf32, #tpu.memory_space<vmem>> -> memref<1x16x1024xf32, #tpu.memory_space<vmem>>
      %dma_start3A_596 = tpu.memref_squeeze %dma_start3A_595 : memref<1x16x1024xf32, #tpu.memory_space<vmem>> -> memref<16x1024xf32, #tpu.memory_space<vmem>>
      %dma_start3A_597 = tpu.memref_slice %arg5[%mul3A_591] : memref<1024xi32, #tpu.memory_space<vmem>> -> memref<16xi32, #tpu.memory_space<vmem>>
      %dma_start3A_598 = arith.constant 0 : i32
      %dma_start3A_599 = arith.constant 0 : i32
      %dma_start3A_600 = tpu.memref_slice %arg3[%dma_start3A_598, %dma_start3A_599] : memref<8192x1024xf32, #tpu.memory_space<hbm>> -> memref<8192x1024xf32, #tpu.memory_space<hbm>>
      tpu.enqueue_indirect_dma source(%dma_start3A_600 : memref<8192x1024xf32, #tpu.memory_space<hbm>>) target(%dma_start3A_596 : memref<16x1024xf32, #tpu.memory_space<vmem>>) offsets(%dma_start3A_597 : memref<16xi32, #tpu.memory_space<vmem>>) semaphore(%arg8 : memref<!tpu.dma_semaphore, #tpu.memory_space<semaphore_mem>>)
      %add3A_601 = arith.constant 2 : i32
      %add3A_602 = arith.addi %sub3A_492, %add3A_601 : i32
      %dma_wait3A_603 = arith.constant 5 : i32
      %dma_wait3A_604 = arith.constant 0 : i32
      %dma_wait3A_605 = arith.constant 0 : i32
      %dma_wait3A_606 = tpu.memref_slice %arg6[%dma_wait3A_603, %dma_wait3A_604, %dma_wait3A_605] : memref<6x16x1024xf32, #tpu.memory_space<vmem>> -> memref<1x16x1024xf32, #tpu.memory_space<vmem>>
      %dma_wait3A_607 = tpu.memref_squeeze %dma_wait3A_606 : memref<1x16x1024xf32, #tpu.memory_space<vmem>> -> memref<16x1024xf32, #tpu.memory_space<vmem>>
      %dma_wait3A_608 = arith.constant 0 : i32
      %dma_wait3A_609 = tpu.memref_slice %arg5[%dma_wait3A_608] : memref<1024xi32, #tpu.memory_space<vmem>> -> memref<16xi32, #tpu.memory_space<vmem>>
      %dma_wait3A_610 = arith.constant 0 : i32
      %dma_wait3A_611 = arith.constant 0 : i32
      %dma_wait3A_612 = tpu.memref_slice %arg3[%dma_wait3A_610, %dma_wait3A_611] : memref<8192x1024xf32, #tpu.memory_space<hbm>> -> memref<8192x1024xf32, #tpu.memory_space<hbm>>
      tpu.wait_indirect_dma semaphore(%arg12 : memref<!tpu.dma_semaphore, #tpu.memory_space<semaphore_mem>>) src(%dma_wait3A_612 : memref<8192x1024xf32, #tpu.memory_space<hbm>>) dst(%dma_wait3A_607 : memref<16x1024xf32, #tpu.memory_space<vmem>>)
      %mul3A_613 = arith.constant 16 : i32
      %mul3A_614 = arith.muli %add3A_602, %mul3A_613 : i32
      %add3A_615 = arith.addi %mul3A_2, %mul3A_614 : i32
      %dma_start3A_616 = arith.constant 5 : i32
      %dma_start3A_617 = arith.constant 0 : i32
      %dma_start3A_618 = arith.constant 0 : i32
      %dma_start3A_619 = tpu.memref_slice %arg6[%dma_start3A_616, %dma_start3A_617, %dma_start3A_618] : memref<6x16x1024xf32, #tpu.memory_space<vmem>> -> memref<1x16x1024xf32, #tpu.memory_space<vmem>>
      %dma_start3A_620 = tpu.memref_squeeze %dma_start3A_619 : memref<1x16x1024xf32, #tpu.memory_space<vmem>> -> memref<16x1024xf32, #tpu.memory_space<vmem>>
      %dma_start3A_621 = arith.constant 0 : i32
      %dma_start3A_622 = tpu.memref_slice %arg4[%add3A_615, %dma_start3A_621] : memref<32768x1024xf32, #tpu.memory_space<hbm>> -> memref<16x1024xf32, #tpu.memory_space<hbm>>
      %dma_start3A_623 = arith.constant 0 : i32
      %dma_start3A_624 = tpu.memref_slice %arg4[%add3A_615, %dma_start3A_623] : memref<32768x1024xf32, #tpu.memory_space<hbm>> -> memref<16x1024xf32, #tpu.memory_space<hbm>>
      %dma_start3A_625 = arith.constant 0 : i32
      %dma_start3A_626 = arith.constant 0 : i32
      %dma_start3A_627 = tpu.memref_slice %arg6[%dma_start3A_616, %dma_start3A_625, %dma_start3A_626] : memref<6x16x1024xf32, #tpu.memory_space<vmem>> -> memref<1x16x1024xf32, #tpu.memory_space<vmem>>
      %dma_start3A_628 = tpu.memref_squeeze %dma_start3A_627 : memref<1x16x1024xf32, #tpu.memory_space<vmem>> -> memref<16x1024xf32, #tpu.memory_space<vmem>>
      tpu.enqueue_dma source(%dma_start3A_628 : memref<16x1024xf32, #tpu.memory_space<vmem>>) target(%dma_start3A_624 : memref<16x1024xf32, #tpu.memory_space<hbm>>) target_semaphore(%arg18 : memref<!tpu.dma_semaphore, #tpu.memory_space<semaphore_mem>>)
      %dma_wait3A_629 = arith.constant 2 : i32
      %dma_wait3A_630 = arith.constant 0 : i32
      %dma_wait3A_631 = arith.constant 0 : i32
      %dma_wait3A_632 = tpu.memref_slice %arg6[%dma_wait3A_629, %dma_wait3A_630, %dma_wait3A_631] : memref<6x16x1024xf32, #tpu.memory_space<vmem>> -> memref<1x16x1024xf32, #tpu.memory_space<vmem>>
      %dma_wait3A_633 = tpu.memref_squeeze %dma_wait3A_632 : memref<1x16x1024xf32, #tpu.memory_space<vmem>> -> memref<16x1024xf32, #tpu.memory_space<vmem>>
      %dma_wait3A_634 = arith.constant 0 : i32
      %dma_wait3A_635 = tpu.memref_slice %arg4[%mul3A_2, %dma_wait3A_634] : memref<32768x1024xf32, #tpu.memory_space<hbm>> -> memref<16x1024xf32, #tpu.memory_space<hbm>>
      %dma_wait3A_636 = arith.constant 0 : i32
      %dma_wait3A_637 = tpu.memref_slice %arg4[%mul3A_2, %dma_wait3A_636] : memref<32768x1024xf32, #tpu.memory_space<hbm>> -> memref<16x1024xf32, #tpu.memory_space<hbm>>
      %dma_wait3A_638 = arith.constant 0 : i32
      %dma_wait3A_639 = arith.constant 0 : i32
      %dma_wait3A_640 = tpu.memref_slice %arg6[%dma_wait3A_629, %dma_wait3A_638, %dma_wait3A_639] : memref<6x16x1024xf32, #tpu.memory_space<vmem>> -> memref<1x16x1024xf32, #tpu.memory_space<vmem>>
      %dma_wait3A_641 = tpu.memref_squeeze %dma_wait3A_640 : memref<1x16x1024xf32, #tpu.memory_space<vmem>> -> memref<16x1024xf32, #tpu.memory_space<vmem>>
      tpu.wait_dma2 semaphore(%arg15 : memref<!tpu.dma_semaphore, #tpu.memory_space<semaphore_mem>>) src(%dma_wait3A_641 : memref<16x1024xf32, #tpu.memory_space<vmem>>) dst(%dma_wait3A_637 : memref<16x1024xf32, #tpu.memory_space<hbm>>)
      %add3A_642 = arith.constant 3 : i32
      %add3A_643 = arith.addi %add3A_602, %add3A_642 : i32
      %mul3A_644 = arith.constant 16 : i32
      %mul3A_645 = arith.muli %add3A_643, %mul3A_644 : i32
      %dma_start3A_646 = arith.constant 2 : i32
      %dma_start3A_647 = arith.constant 0 : i32
      %dma_start3A_648 = arith.constant 0 : i32
      %dma_start3A_649 = tpu.memref_slice %arg6[%dma_start3A_646, %dma_start3A_647, %dma_start3A_648] : memref<6x16x1024xf32, #tpu.memory_space<vmem>> -> memref<1x16x1024xf32, #tpu.memory_space<vmem>>
      %dma_start3A_650 = tpu.memref_squeeze %dma_start3A_649 : memref<1x16x1024xf32, #tpu.memory_space<vmem>> -> memref<16x1024xf32, #tpu.memory_space<vmem>>
      %dma_start3A_651 = tpu.memref_slice %arg5[%mul3A_645] : memref<1024xi32, #tpu.memory_space<vmem>> -> memref<16xi32, #tpu.memory_space<vmem>>
      %dma_start3A_652 = arith.constant 0 : i32
      %dma_start3A_653 = arith.constant 0 : i32
      %dma_start3A_654 = tpu.memref_slice %arg3[%dma_start3A_652, %dma_start3A_653] : memref<8192x1024xf32, #tpu.memory_space<hbm>> -> memref<8192x1024xf32, #tpu.memory_space<hbm>>
      tpu.enqueue_indirect_dma source(%dma_start3A_654 : memref<8192x1024xf32, #tpu.memory_space<hbm>>) target(%dma_start3A_650 : memref<16x1024xf32, #tpu.memory_space<vmem>>) offsets(%dma_start3A_651 : memref<16xi32, #tpu.memory_space<vmem>>) semaphore(%arg9 : memref<!tpu.dma_semaphore, #tpu.memory_space<semaphore_mem>>)
      %add3A_655 = arith.constant 3 : i32
      %add3A_656 = arith.addi %sub3A_492, %add3A_655 : i32
      %dma_wait3A_657 = arith.constant 0 : i32
      %dma_wait3A_658 = arith.constant 0 : i32
      %dma_wait3A_659 = arith.constant 0 : i32
      %dma_wait3A_660 = tpu.memref_slice %arg6[%dma_wait3A_657, %dma_wait3A_658, %dma_wait3A_659] : memref<6x16x1024xf32, #tpu.memory_space<vmem>> -> memref<1x16x1024xf32, #tpu.memory_space<vmem>>
      %dma_wait3A_661 = tpu.memref_squeeze %dma_wait3A_660 : memref<1x16x1024xf32, #tpu.memory_space<vmem>> -> memref<16x1024xf32, #tpu.memory_space<vmem>>
      %dma_wait3A_662 = arith.constant 0 : i32
      %dma_wait3A_663 = tpu.memref_slice %arg5[%dma_wait3A_662] : memref<1024xi32, #tpu.memory_space<vmem>> -> memref<16xi32, #tpu.memory_space<vmem>>
      %dma_wait3A_664 = arith.constant 0 : i32
      %dma_wait3A_665 = arith.constant 0 : i32
      %dma_wait3A_666 = tpu.memref_slice %arg3[%dma_wait3A_664, %dma_wait3A_665] : memref<8192x1024xf32, #tpu.memory_space<hbm>> -> memref<8192x1024xf32, #tpu.memory_space<hbm>>
      tpu.wait_indirect_dma semaphore(%arg7 : memref<!tpu.dma_semaphore, #tpu.memory_space<semaphore_mem>>) src(%dma_wait3A_666 : memref<8192x1024xf32, #tpu.memory_space<hbm>>) dst(%dma_wait3A_661 : memref<16x1024xf32, #tpu.memory_space<vmem>>)
      %mul3A_667 = arith.constant 16 : i32
      %mul3A_668 = arith.muli %add3A_656, %mul3A_667 : i32
      %add3A_669 = arith.addi %mul3A_2, %mul3A_668 : i32
      %dma_start3A_670 = arith.constant 0 : i32
      %dma_start3A_671 = arith.constant 0 : i32
      %dma_start3A_672 = arith.constant 0 : i32
      %dma_start3A_673 = tpu.memref_slice %arg6[%dma_start3A_670, %dma_start3A_671, %dma_start3A_672] : memref<6x16x1024xf32, #tpu.memory_space<vmem>> -> memref<1x16x1024xf32, #tpu.memory_space<vmem>>
      %dma_start3A_674 = tpu.memref_squeeze %dma_start3A_673 : memref<1x16x1024xf32, #tpu.memory_space<vmem>> -> memref<16x1024xf32, #tpu.memory_space<vmem>>
      %dma_start3A_675 = arith.constant 0 : i32
      %dma_start3A_676 = tpu.memref_slice %arg4[%add3A_669, %dma_start3A_675] : memref<32768x1024xf32, #tpu.memory_space<hbm>> -> memref<16x1024xf32, #tpu.memory_space<hbm>>
      %dma_start3A_677 = arith.constant 0 : i32
      %dma_start3A_678 = tpu.memref_slice %arg4[%add3A_669, %dma_start3A_677] : memref<32768x1024xf32, #tpu.memory_space<hbm>> -> memref<16x1024xf32, #tpu.memory_space<hbm>>
      %dma_start3A_679 = arith.constant 0 : i32
      %dma_start3A_680 = arith.constant 0 : i32
      %dma_start3A_681 = tpu.memref_slice %arg6[%dma_start3A_670, %dma_start3A_679, %dma_start3A_680] : memref<6x16x1024xf32, #tpu.memory_space<vmem>> -> memref<1x16x1024xf32, #tpu.memory_space<vmem>>
      %dma_start3A_682 = tpu.memref_squeeze %dma_start3A_681 : memref<1x16x1024xf32, #tpu.memory_space<vmem>> -> memref<16x1024xf32, #tpu.memory_space<vmem>>
      tpu.enqueue_dma source(%dma_start3A_682 : memref<16x1024xf32, #tpu.memory_space<vmem>>) target(%dma_start3A_678 : memref<16x1024xf32, #tpu.memory_space<hbm>>) target_semaphore(%arg13 : memref<!tpu.dma_semaphore, #tpu.memory_space<semaphore_mem>>)
      %dma_wait3A_683 = arith.constant 3 : i32
      %dma_wait3A_684 = arith.constant 0 : i32
      %dma_wait3A_685 = arith.constant 0 : i32
      %dma_wait3A_686 = tpu.memref_slice %arg6[%dma_wait3A_683, %dma_wait3A_684, %dma_wait3A_685] : memref<6x16x1024xf32, #tpu.memory_space<vmem>> -> memref<1x16x1024xf32, #tpu.memory_space<vmem>>
      %dma_wait3A_687 = tpu.memref_squeeze %dma_wait3A_686 : memref<1x16x1024xf32, #tpu.memory_space<vmem>> -> memref<16x1024xf32, #tpu.memory_space<vmem>>
      %dma_wait3A_688 = arith.constant 0 : i32
      %dma_wait3A_689 = tpu.memref_slice %arg4[%mul3A_2, %dma_wait3A_688] : memref<32768x1024xf32, #tpu.memory_space<hbm>> -> memref<16x1024xf32, #tpu.memory_space<hbm>>
      %dma_wait3A_690 = arith.constant 0 : i32
      %dma_wait3A_691 = tpu.memref_slice %arg4[%mul3A_2, %dma_wait3A_690] : memref<32768x1024xf32, #tpu.memory_space<hbm>> -> memref<16x1024xf32, #tpu.memory_space<hbm>>
      %dma_wait3A_692 = arith.constant 0 : i32
      %dma_wait3A_693 = arith.constant 0 : i32
      %dma_wait3A_694 = tpu.memref_slice %arg6[%dma_wait3A_683, %dma_wait3A_692, %dma_wait3A_693] : memref<6x16x1024xf32, #tpu.memory_space<vmem>> -> memref<1x16x1024xf32, #tpu.memory_space<vmem>>
      %dma_wait3A_695 = tpu.memref_squeeze %dma_wait3A_694 : memref<1x16x1024xf32, #tpu.memory_space<vmem>> -> memref<16x1024xf32, #tpu.memory_space<vmem>>
      tpu.wait_dma2 semaphore(%arg16 : memref<!tpu.dma_semaphore, #tpu.memory_space<semaphore_mem>>) src(%dma_wait3A_695 : memref<16x1024xf32, #tpu.memory_space<vmem>>) dst(%dma_wait3A_691 : memref<16x1024xf32, #tpu.memory_space<hbm>>)
      %add3A_696 = arith.constant 3 : i32
      %add3A_697 = arith.addi %add3A_656, %add3A_696 : i32
      %mul3A_698 = arith.constant 16 : i32
      %mul3A_699 = arith.muli %add3A_697, %mul3A_698 : i32
      %dma_start3A_700 = arith.constant 3 : i32
      %dma_start3A_701 = arith.constant 0 : i32
      %dma_start3A_702 = arith.constant 0 : i32
      %dma_start3A_703 = tpu.memref_slice %arg6[%dma_start3A_700, %dma_start3A_701, %dma_start3A_702] : memref<6x16x1024xf32, #tpu.memory_space<vmem>> -> memref<1x16x1024xf32, #tpu.memory_space<vmem>>
      %dma_start3A_704 = tpu.memref_squeeze %dma_start3A_703 : memref<1x16x1024xf32, #tpu.memory_space<vmem>> -> memref<16x1024xf32, #tpu.memory_space<vmem>>
      %dma_start3A_705 = tpu.memref_slice %arg5[%mul3A_699] : memref<1024xi32, #tpu.memory_space<vmem>> -> memref<16xi32, #tpu.memory_space<vmem>>
      %dma_start3A_706 = arith.constant 0 : i32
      %dma_start3A_707 = arith.constant 0 : i32
      %dma_start3A_708 = tpu.memref_slice %arg3[%dma_start3A_706, %dma_start3A_707] : memref<8192x1024xf32, #tpu.memory_space<hbm>> -> memref<8192x1024xf32, #tpu.memory_space<hbm>>
      tpu.enqueue_indirect_dma source(%dma_start3A_708 : memref<8192x1024xf32, #tpu.memory_space<hbm>>) target(%dma_start3A_704 : memref<16x1024xf32, #tpu.memory_space<vmem>>) offsets(%dma_start3A_705 : memref<16xi32, #tpu.memory_space<vmem>>) semaphore(%arg10 : memref<!tpu.dma_semaphore, #tpu.memory_space<semaphore_mem>>)
      %add3A_709 = arith.constant 4 : i32
      %add3A_710 = arith.addi %sub3A_492, %add3A_709 : i32
      %dma_wait3A_711 = arith.constant 1 : i32
      %dma_wait3A_712 = arith.constant 0 : i32
      %dma_wait3A_713 = arith.constant 0 : i32
      %dma_wait3A_714 = tpu.memref_slice %arg6[%dma_wait3A_711, %dma_wait3A_712, %dma_wait3A_713] : memref<6x16x1024xf32, #tpu.memory_space<vmem>> -> memref<1x16x1024xf32, #tpu.memory_space<vmem>>
      %dma_wait3A_715 = tpu.memref_squeeze %dma_wait3A_714 : memref<1x16x1024xf32, #tpu.memory_space<vmem>> -> memref<16x1024xf32, #tpu.memory_space<vmem>>
      %dma_wait3A_716 = arith.constant 0 : i32
      %dma_wait3A_717 = tpu.memref_slice %arg5[%dma_wait3A_716] : memref<1024xi32, #tpu.memory_space<vmem>> -> memref<16xi32, #tpu.memory_space<vmem>>
      %dma_wait3A_718 = arith.constant 0 : i32
      %dma_wait3A_719 = arith.constant 0 : i32
      %dma_wait3A_720 = tpu.memref_slice %arg3[%dma_wait3A_718, %dma_wait3A_719] : memref<8192x1024xf32, #tpu.memory_space<hbm>> -> memref<8192x1024xf32, #tpu.memory_space<hbm>>
      tpu.wait_indirect_dma semaphore(%arg8 : memref<!tpu.dma_semaphore, #tpu.memory_space<semaphore_mem>>) src(%dma_wait3A_720 : memref<8192x1024xf32, #tpu.memory_space<hbm>>) dst(%dma_wait3A_715 : memref<16x1024xf32, #tpu.memory_space<vmem>>)
      %mul3A_721 = arith.constant 16 : i32
      %mul3A_722 = arith.muli %add3A_710, %mul3A_721 : i32
      %add3A_723 = arith.addi %mul3A_2, %mul3A_722 : i32
      %dma_start3A_724 = arith.constant 1 : i32
      %dma_start3A_725 = arith.constant 0 : i32
      %dma_start3A_726 = arith.constant 0 : i32
      %dma_start3A_727 = tpu.memref_slice %arg6[%dma_start3A_724, %dma_start3A_725, %dma_start3A_726] : memref<6x16x1024xf32, #tpu.memory_space<vmem>> -> memref<1x16x1024xf32, #tpu.memory_space<vmem>>
      %dma_start3A_728 = tpu.memref_squeeze %dma_start3A_727 : memref<1x16x1024xf32, #tpu.memory_space<vmem>> -> memref<16x1024xf32, #tpu.memory_space<vmem>>
      %dma_start3A_729 = arith.constant 0 : i32
      %dma_start3A_730 = tpu.memref_slice %arg4[%add3A_723, %dma_start3A_729] : memref<32768x1024xf32, #tpu.memory_space<hbm>> -> memref<16x1024xf32, #tpu.memory_space<hbm>>
      %dma_start3A_731 = arith.constant 0 : i32
      %dma_start3A_732 = tpu.memref_slice %arg4[%add3A_723, %dma_start3A_731] : memref<32768x1024xf32, #tpu.memory_space<hbm>> -> memref<16x1024xf32, #tpu.memory_space<hbm>>
      %dma_start3A_733 = arith.constant 0 : i32
      %dma_start3A_734 = arith.constant 0 : i32
      %dma_start3A_735 = tpu.memref_slice %arg6[%dma_start3A_724, %dma_start3A_733, %dma_start3A_734] : memref<6x16x1024xf32, #tpu.memory_space<vmem>> -> memref<1x16x1024xf32, #tpu.memory_space<vmem>>
      %dma_start3A_736 = tpu.memref_squeeze %dma_start3A_735 : memref<1x16x1024xf32, #tpu.memory_space<vmem>> -> memref<16x1024xf32, #tpu.memory_space<vmem>>
      tpu.enqueue_dma source(%dma_start3A_736 : memref<16x1024xf32, #tpu.memory_space<vmem>>) target(%dma_start3A_732 : memref<16x1024xf32, #tpu.memory_space<hbm>>) target_semaphore(%arg14 : memref<!tpu.dma_semaphore, #tpu.memory_space<semaphore_mem>>)
      %dma_wait3A_737 = arith.constant 4 : i32
      %dma_wait3A_738 = arith.constant 0 : i32
      %dma_wait3A_739 = arith.constant 0 : i32
      %dma_wait3A_740 = tpu.memref_slice %arg6[%dma_wait3A_737, %dma_wait3A_738, %dma_wait3A_739] : memref<6x16x1024xf32, #tpu.memory_space<vmem>> -> memref<1x16x1024xf32, #tpu.memory_space<vmem>>
      %dma_wait3A_741 = tpu.memref_squeeze %dma_wait3A_740 : memref<1x16x1024xf32, #tpu.memory_space<vmem>> -> memref<16x1024xf32, #tpu.memory_space<vmem>>
      %dma_wait3A_742 = arith.constant 0 : i32
      %dma_wait3A_743 = tpu.memref_slice %arg4[%mul3A_2, %dma_wait3A_742] : memref<32768x1024xf32, #tpu.memory_space<hbm>> -> memref<16x1024xf32, #tpu.memory_space<hbm>>
      %dma_wait3A_744 = arith.constant 0 : i32
      %dma_wait3A_745 = tpu.memref_slice %arg4[%mul3A_2, %dma_wait3A_744] : memref<32768x1024xf32, #tpu.memory_space<hbm>> -> memref<16x1024xf32, #tpu.memory_space<hbm>>
      %dma_wait3A_746 = arith.constant 0 : i32
      %dma_wait3A_747 = arith.constant 0 : i32
      %dma_wait3A_748 = tpu.memref_slice %arg6[%dma_wait3A_737, %dma_wait3A_746, %dma_wait3A_747] : memref<6x16x1024xf32, #tpu.memory_space<vmem>> -> memref<1x16x1024xf32, #tpu.memory_space<vmem>>
      %dma_wait3A_749 = tpu.memref_squeeze %dma_wait3A_748 : memref<1x16x1024xf32, #tpu.memory_space<vmem>> -> memref<16x1024xf32, #tpu.memory_space<vmem>>
      tpu.wait_dma2 semaphore(%arg17 : memref<!tpu.dma_semaphore, #tpu.memory_space<semaphore_mem>>) src(%dma_wait3A_749 : memref<16x1024xf32, #tpu.memory_space<vmem>>) dst(%dma_wait3A_745 : memref<16x1024xf32, #tpu.memory_space<hbm>>)
      %add3A_750 = arith.constant 3 : i32
      %add3A_751 = arith.addi %add3A_710, %add3A_750 : i32
      %mul3A_752 = arith.constant 16 : i32
      %mul3A_753 = arith.muli %add3A_751, %mul3A_752 : i32
      %dma_start3A_754 = arith.constant 4 : i32
      %dma_start3A_755 = arith.constant 0 : i32
      %dma_start3A_756 = arith.constant 0 : i32
      %dma_start3A_757 = tpu.memref_slice %arg6[%dma_start3A_754, %dma_start3A_755, %dma_start3A_756] : memref<6x16x1024xf32, #tpu.memory_space<vmem>> -> memref<1x16x1024xf32, #tpu.memory_space<vmem>>
      %dma_start3A_758 = tpu.memref_squeeze %dma_start3A_757 : memref<1x16x1024xf32, #tpu.memory_space<vmem>> -> memref<16x1024xf32, #tpu.memory_space<vmem>>
      %dma_start3A_759 = tpu.memref_slice %arg5[%mul3A_753] : memref<1024xi32, #tpu.memory_space<vmem>> -> memref<16xi32, #tpu.memory_space<vmem>>
      %dma_start3A_760 = arith.constant 0 : i32
      %dma_start3A_761 = arith.constant 0 : i32
      %dma_start3A_762 = tpu.memref_slice %arg3[%dma_start3A_760, %dma_start3A_761] : memref<8192x1024xf32, #tpu.memory_space<hbm>> -> memref<8192x1024xf32, #tpu.memory_space<hbm>>
      tpu.enqueue_indirect_dma source(%dma_start3A_762 : memref<8192x1024xf32, #tpu.memory_space<hbm>>) target(%dma_start3A_758 : memref<16x1024xf32, #tpu.memory_space<vmem>>) offsets(%dma_start3A_759 : memref<16xi32, #tpu.memory_space<vmem>>) semaphore(%arg11 : memref<!tpu.dma_semaphore, #tpu.memory_space<semaphore_mem>>)
      %add3A_763 = arith.constant 5 : i32
      %add3A_764 = arith.addi %sub3A_492, %add3A_763 : i32
      %dma_wait3A_765 = arith.constant 2 : i32
      %dma_wait3A_766 = arith.constant 0 : i32
      %dma_wait3A_767 = arith.constant 0 : i32
      %dma_wait3A_768 = tpu.memref_slice %arg6[%dma_wait3A_765, %dma_wait3A_766, %dma_wait3A_767] : memref<6x16x1024xf32, #tpu.memory_space<vmem>> -> memref<1x16x1024xf32, #tpu.memory_space<vmem>>
      %dma_wait3A_769 = tpu.memref_squeeze %dma_wait3A_768 : memref<1x16x1024xf32, #tpu.memory_space<vmem>> -> memref<16x1024xf32, #tpu.memory_space<vmem>>
      %dma_wait3A_770 = arith.constant 0 : i32
      %dma_wait3A_771 = tpu.memref_slice %arg5[%dma_wait3A_770] : memref<1024xi32, #tpu.memory_space<vmem>> -> memref<16xi32, #tpu.memory_space<vmem>>
      %dma_wait3A_772 = arith.constant 0 : i32
      %dma_wait3A_773 = arith.constant 0 : i32
      %dma_wait3A_774 = tpu.memref_slice %arg3[%dma_wait3A_772, %dma_wait3A_773] : memref<8192x1024xf32, #tpu.memory_space<hbm>> -> memref<8192x1024xf32, #tpu.memory_space<hbm>>
      tpu.wait_indirect_dma semaphore(%arg9 : memref<!tpu.dma_semaphore, #tpu.memory_space<semaphore_mem>>) src(%dma_wait3A_774 : memref<8192x1024xf32, #tpu.memory_space<hbm>>) dst(%dma_wait3A_769 : memref<16x1024xf32, #tpu.memory_space<vmem>>)
      %mul3A_775 = arith.constant 16 : i32
      %mul3A_776 = arith.muli %add3A_764, %mul3A_775 : i32
      %add3A_777 = arith.addi %mul3A_2, %mul3A_776 : i32
      %dma_start3A_778 = arith.constant 2 : i32
      %dma_start3A_779 = arith.constant 0 : i32
      %dma_start3A_780 = arith.constant 0 : i32
      %dma_start3A_781 = tpu.memref_slice %arg6[%dma_start3A_778, %dma_start3A_779, %dma_start3A_780] : memref<6x16x1024xf32, #tpu.memory_space<vmem>> -> memref<1x16x1024xf32, #tpu.memory_space<vmem>>
      %dma_start3A_782 = tpu.memref_squeeze %dma_start3A_781 : memref<1x16x1024xf32, #tpu.memory_space<vmem>> -> memref<16x1024xf32, #tpu.memory_space<vmem>>
      %dma_start3A_783 = arith.constant 0 : i32
      %dma_start3A_784 = tpu.memref_slice %arg4[%add3A_777, %dma_start3A_783] : memref<32768x1024xf32, #tpu.memory_space<hbm>> -> memref<16x1024xf32, #tpu.memory_space<hbm>>
      %dma_start3A_785 = arith.constant 0 : i32
      %dma_start3A_786 = tpu.memref_slice %arg4[%add3A_777, %dma_start3A_785] : memref<32768x1024xf32, #tpu.memory_space<hbm>> -> memref<16x1024xf32, #tpu.memory_space<hbm>>
      %dma_start3A_787 = arith.constant 0 : i32
      %dma_start3A_788 = arith.constant 0 : i32
      %dma_start3A_789 = tpu.memref_slice %arg6[%dma_start3A_778, %dma_start3A_787, %dma_start3A_788] : memref<6x16x1024xf32, #tpu.memory_space<vmem>> -> memref<1x16x1024xf32, #tpu.memory_space<vmem>>
      %dma_start3A_790 = tpu.memref_squeeze %dma_start3A_789 : memref<1x16x1024xf32, #tpu.memory_space<vmem>> -> memref<16x1024xf32, #tpu.memory_space<vmem>>
      tpu.enqueue_dma source(%dma_start3A_790 : memref<16x1024xf32, #tpu.memory_space<vmem>>) target(%dma_start3A_786 : memref<16x1024xf32, #tpu.memory_space<hbm>>) target_semaphore(%arg15 : memref<!tpu.dma_semaphore, #tpu.memory_space<semaphore_mem>>)
      %dma_wait3A_791 = arith.constant 5 : i32
      %dma_wait3A_792 = arith.constant 0 : i32
      %dma_wait3A_793 = arith.constant 0 : i32
      %dma_wait3A_794 = tpu.memref_slice %arg6[%dma_wait3A_791, %dma_wait3A_792, %dma_wait3A_793] : memref<6x16x1024xf32, #tpu.memory_space<vmem>> -> memref<1x16x1024xf32, #tpu.memory_space<vmem>>
      %dma_wait3A_795 = tpu.memref_squeeze %dma_wait3A_794 : memref<1x16x1024xf32, #tpu.memory_space<vmem>> -> memref<16x1024xf32, #tpu.memory_space<vmem>>
      %dma_wait3A_796 = arith.constant 0 : i32
      %dma_wait3A_797 = tpu.memref_slice %arg4[%mul3A_2, %dma_wait3A_796] : memref<32768x1024xf32, #tpu.memory_space<hbm>> -> memref<16x1024xf32, #tpu.memory_space<hbm>>
      %dma_wait3A_798 = arith.constant 0 : i32
      %dma_wait3A_799 = tpu.memref_slice %arg4[%mul3A_2, %dma_wait3A_798] : memref<32768x1024xf32, #tpu.memory_space<hbm>> -> memref<16x1024xf32, #tpu.memory_space<hbm>>
      %dma_wait3A_800 = arith.constant 0 : i32
      %dma_wait3A_801 = arith.constant 0 : i32
      %dma_wait3A_802 = tpu.memref_slice %arg6[%dma_wait3A_791, %dma_wait3A_800, %dma_wait3A_801] : memref<6x16x1024xf32, #tpu.memory_space<vmem>> -> memref<1x16x1024xf32, #tpu.memory_space<vmem>>
      %dma_wait3A_803 = tpu.memref_squeeze %dma_wait3A_802 : memref<1x16x1024xf32, #tpu.memory_space<vmem>> -> memref<16x1024xf32, #tpu.memory_space<vmem>>
      tpu.wait_dma2 semaphore(%arg18 : memref<!tpu.dma_semaphore, #tpu.memory_space<semaphore_mem>>) src(%dma_wait3A_803 : memref<16x1024xf32, #tpu.memory_space<vmem>>) dst(%dma_wait3A_799 : memref<16x1024xf32, #tpu.memory_space<hbm>>)
      %add3A_804 = arith.constant 3 : i32
      %add3A_805 = arith.addi %add3A_764, %add3A_804 : i32
      %mul3A_806 = arith.constant 16 : i32
      %mul3A_807 = arith.muli %add3A_805, %mul3A_806 : i32
      %dma_start3A_808 = arith.constant 5 : i32
      %dma_start3A_809 = arith.constant 0 : i32
      %dma_start3A_810 = arith.constant 0 : i32
      %dma_start3A_811 = tpu.memref_slice %arg6[%dma_start3A_808, %dma_start3A_809, %dma_start3A_810] : memref<6x16x1024xf32, #tpu.memory_space<vmem>> -> memref<1x16x1024xf32, #tpu.memory_space<vmem>>
      %dma_start3A_812 = tpu.memref_squeeze %dma_start3A_811 : memref<1x16x1024xf32, #tpu.memory_space<vmem>> -> memref<16x1024xf32, #tpu.memory_space<vmem>>
      %dma_start3A_813 = tpu.memref_slice %arg5[%mul3A_807] : memref<1024xi32, #tpu.memory_space<vmem>> -> memref<16xi32, #tpu.memory_space<vmem>>
      %dma_start3A_814 = arith.constant 0 : i32
      %dma_start3A_815 = arith.constant 0 : i32
      %dma_start3A_816 = tpu.memref_slice %arg3[%dma_start3A_814, %dma_start3A_815] : memref<8192x1024xf32, #tpu.memory_space<hbm>> -> memref<8192x1024xf32, #tpu.memory_space<hbm>>
      tpu.enqueue_indirect_dma source(%dma_start3A_816 : memref<8192x1024xf32, #tpu.memory_space<hbm>>) target(%dma_start3A_812 : memref<16x1024xf32, #tpu.memory_space<vmem>>) offsets(%dma_start3A_813 : memref<16xi32, #tpu.memory_space<vmem>>) semaphore(%arg12 : memref<!tpu.dma_semaphore, #tpu.memory_space<semaphore_mem>>)
    }
    %scan3A_139 = arith.constant 9 : i32
    %dma_wait3A_140 = arith.constant 3 : i32
    %dma_wait3A_141 = arith.constant 0 : i32
    %dma_wait3A_142 = arith.constant 0 : i32
    %dma_wait3A_143 = tpu.memref_slice %arg6[%dma_wait3A_140, %dma_wait3A_141, %dma_wait3A_142] : memref<6x16x1024xf32, #tpu.memory_space<vmem>> -> memref<1x16x1024xf32, #tpu.memory_space<vmem>>
    %dma_wait3A_144 = tpu.memref_squeeze %dma_wait3A_143 : memref<1x16x1024xf32, #tpu.memory_space<vmem>> -> memref<16x1024xf32, #tpu.memory_space<vmem>>
    %dma_wait3A_145 = arith.constant 0 : i32
    %dma_wait3A_146 = tpu.memref_slice %arg5[%dma_wait3A_145] : memref<1024xi32, #tpu.memory_space<vmem>> -> memref<16xi32, #tpu.memory_space<vmem>>
    %dma_wait3A_147 = arith.constant 0 : i32
    %dma_wait3A_148 = arith.constant 0 : i32
    %dma_wait3A_149 = tpu.memref_slice %arg3[%dma_wait3A_147, %dma_wait3A_148] : memref<8192x1024xf32, #tpu.memory_space<hbm>> -> memref<8192x1024xf32, #tpu.memory_space<hbm>>
    tpu.wait_indirect_dma semaphore(%arg10 : memref<!tpu.dma_semaphore, #tpu.memory_space<semaphore_mem>>) src(%dma_wait3A_149 : memref<8192x1024xf32, #tpu.memory_space<hbm>>) dst(%dma_wait3A_144 : memref<16x1024xf32, #tpu.memory_space<vmem>>)
    %add3A_150 = arith.constant 912 : i32
    %add3A_151 = arith.addi %mul3A_2, %add3A_150 : i32
    %dma_start3A_152 = arith.constant 3 : i32
    %dma_start3A_153 = arith.constant 0 : i32
    %dma_start3A_154 = arith.constant 0 : i32
    %dma_start3A_155 = tpu.memref_slice %arg6[%dma_start3A_152, %dma_start3A_153, %dma_start3A_154] : memref<6x16x1024xf32, #tpu.memory_space<vmem>> -> memref<1x16x1024xf32, #tpu.memory_space<vmem>>
    %dma_start3A_156 = tpu.memref_squeeze %dma_start3A_155 : memref<1x16x1024xf32, #tpu.memory_space<vmem>> -> memref<16x1024xf32, #tpu.memory_space<vmem>>
    %dma_start3A_157 = arith.constant 0 : i32
    %dma_start3A_158 = tpu.memref_slice %arg4[%add3A_151, %dma_start3A_157] : memref<32768x1024xf32, #tpu.memory_space<hbm>> -> memref<16x1024xf32, #tpu.memory_space<hbm>>
    %dma_start3A_159 = arith.constant 0 : i32
    %dma_start3A_160 = tpu.memref_slice %arg4[%add3A_151, %dma_start3A_159] : memref<32768x1024xf32, #tpu.memory_space<hbm>> -> memref<16x1024xf32, #tpu.memory_space<hbm>>
    %dma_start3A_161 = arith.constant 0 : i32
    %dma_start3A_162 = arith.constant 0 : i32
    %dma_start3A_163 = tpu.memref_slice %arg6[%dma_start3A_152, %dma_start3A_161, %dma_start3A_162] : memref<6x16x1024xf32, #tpu.memory_space<vmem>> -> memref<1x16x1024xf32, #tpu.memory_space<vmem>>
    %dma_start3A_164 = tpu.memref_squeeze %dma_start3A_163 : memref<1x16x1024xf32, #tpu.memory_space<vmem>> -> memref<16x1024xf32, #tpu.memory_space<vmem>>
    tpu.enqueue_dma source(%dma_start3A_164 : memref<16x1024xf32, #tpu.memory_space<vmem>>) target(%dma_start3A_160 : memref<16x1024xf32, #tpu.memory_space<hbm>>) target_semaphore(%arg16 : memref<!tpu.dma_semaphore, #tpu.memory_space<semaphore_mem>>)
    %dma_wait3A_165 = arith.constant 0 : i32
    %dma_wait3A_166 = arith.constant 0 : i32
    %dma_wait3A_167 = arith.constant 0 : i32
    %dma_wait3A_168 = tpu.memref_slice %arg6[%dma_wait3A_165, %dma_wait3A_166, %dma_wait3A_167] : memref<6x16x1024xf32, #tpu.memory_space<vmem>> -> memref<1x16x1024xf32, #tpu.memory_space<vmem>>
    %dma_wait3A_169 = tpu.memref_squeeze %dma_wait3A_168 : memref<1x16x1024xf32, #tpu.memory_space<vmem>> -> memref<16x1024xf32, #tpu.memory_space<vmem>>
    %dma_wait3A_170 = arith.constant 0 : i32
    %dma_wait3A_171 = tpu.memref_slice %arg4[%mul3A_2, %dma_wait3A_170] : memref<32768x1024xf32, #tpu.memory_space<hbm>> -> memref<16x1024xf32, #tpu.memory_space<hbm>>
    %dma_wait3A_172 = arith.constant 0 : i32
    %dma_wait3A_173 = tpu.memref_slice %arg4[%mul3A_2, %dma_wait3A_172] : memref<32768x1024xf32, #tpu.memory_space<hbm>> -> memref<16x1024xf32, #tpu.memory_space<hbm>>
    %dma_wait3A_174 = arith.constant 0 : i32
    %dma_wait3A_175 = arith.constant 0 : i32
    %dma_wait3A_176 = tpu.memref_slice %arg6[%dma_wait3A_165, %dma_wait3A_174, %dma_wait3A_175] : memref<6x16x1024xf32, #tpu.memory_space<vmem>> -> memref<1x16x1024xf32, #tpu.memory_space<vmem>>
    %dma_wait3A_177 = tpu.memref_squeeze %dma_wait3A_176 : memref<1x16x1024xf32, #tpu.memory_space<vmem>> -> memref<16x1024xf32, #tpu.memory_space<vmem>>
    tpu.wait_dma2 semaphore(%arg13 : memref<!tpu.dma_semaphore, #tpu.memory_space<semaphore_mem>>) src(%dma_wait3A_177 : memref<16x1024xf32, #tpu.memory_space<vmem>>) dst(%dma_wait3A_173 : memref<16x1024xf32, #tpu.memory_space<hbm>>)
    %dma_start3A_178 = arith.constant 0 : i32
    %dma_start3A_179 = arith.constant 0 : i32
    %dma_start3A_180 = arith.constant 0 : i32
    %dma_start3A_181 = tpu.memref_slice %arg6[%dma_start3A_178, %dma_start3A_179, %dma_start3A_180] : memref<6x16x1024xf32, #tpu.memory_space<vmem>> -> memref<1x16x1024xf32, #tpu.memory_space<vmem>>
    %dma_start3A_182 = tpu.memref_squeeze %dma_start3A_181 : memref<1x16x1024xf32, #tpu.memory_space<vmem>> -> memref<16x1024xf32, #tpu.memory_space<vmem>>
    %dma_start3A_183 = arith.constant 960 : i32
    %dma_start3A_184 = tpu.memref_slice %arg5[%dma_start3A_183] : memref<1024xi32, #tpu.memory_space<vmem>> -> memref<16xi32, #tpu.memory_space<vmem>>
    %dma_start3A_185 = arith.constant 0 : i32
    %dma_start3A_186 = arith.constant 0 : i32
    %dma_start3A_187 = tpu.memref_slice %arg3[%dma_start3A_185, %dma_start3A_186] : memref<8192x1024xf32, #tpu.memory_space<hbm>> -> memref<8192x1024xf32, #tpu.memory_space<hbm>>
    tpu.enqueue_indirect_dma source(%dma_start3A_187 : memref<8192x1024xf32, #tpu.memory_space<hbm>>) target(%dma_start3A_182 : memref<16x1024xf32, #tpu.memory_space<vmem>>) offsets(%dma_start3A_184 : memref<16xi32, #tpu.memory_space<vmem>>) semaphore(%arg7 : memref<!tpu.dma_semaphore, #tpu.memory_space<semaphore_mem>>)
    %dma_wait3A_188 = arith.constant 4 : i32
    %dma_wait3A_189 = arith.constant 0 : i32
    %dma_wait3A_190 = arith.constant 0 : i32
    %dma_wait3A_191 = tpu.memref_slice %arg6[%dma_wait3A_188, %dma_wait3A_189, %dma_wait3A_190] : memref<6x16x1024xf32, #tpu.memory_space<vmem>> -> memref<1x16x1024xf32, #tpu.memory_space<vmem>>
    %dma_wait3A_192 = tpu.memref_squeeze %dma_wait3A_191 : memref<1x16x1024xf32, #tpu.memory_space<vmem>> -> memref<16x1024xf32, #tpu.memory_space<vmem>>
    %dma_wait3A_193 = arith.constant 0 : i32
    %dma_wait3A_194 = tpu.memref_slice %arg5[%dma_wait3A_193] : memref<1024xi32, #tpu.memory_space<vmem>> -> memref<16xi32, #tpu.memory_space<vmem>>
    %dma_wait3A_195 = arith.constant 0 : i32
    %dma_wait3A_196 = arith.constant 0 : i32
    %dma_wait3A_197 = tpu.memref_slice %arg3[%dma_wait3A_195, %dma_wait3A_196] : memref<8192x1024xf32, #tpu.memory_space<hbm>> -> memref<8192x1024xf32, #tpu.memory_space<hbm>>
    tpu.wait_indirect_dma semaphore(%arg11 : memref<!tpu.dma_semaphore, #tpu.memory_space<semaphore_mem>>) src(%dma_wait3A_197 : memref<8192x1024xf32, #tpu.memory_space<hbm>>) dst(%dma_wait3A_192 : memref<16x1024xf32, #tpu.memory_space<vmem>>)
    %add3A_198 = arith.constant 928 : i32
    %add3A_199 = arith.addi %mul3A_2, %add3A_198 : i32
    %dma_start3A_200 = arith.constant 4 : i32
    %dma_start3A_201 = arith.constant 0 : i32
    %dma_start3A_202 = arith.constant 0 : i32
    %dma_start3A_203 = tpu.memref_slice %arg6[%dma_start3A_200, %dma_start3A_201, %dma_start3A_202] : memref<6x16x1024xf32, #tpu.memory_space<vmem>> -> memref<1x16x1024xf32, #tpu.memory_space<vmem>>
    %dma_start3A_204 = tpu.memref_squeeze %dma_start3A_203 : memref<1x16x1024xf32, #tpu.memory_space<vmem>> -> memref<16x1024xf32, #tpu.memory_space<vmem>>
    %dma_start3A_205 = arith.constant 0 : i32
    %dma_start3A_206 = tpu.memref_slice %arg4[%add3A_199, %dma_start3A_205] : memref<32768x1024xf32, #tpu.memory_space<hbm>> -> memref<16x1024xf32, #tpu.memory_space<hbm>>
    %dma_start3A_207 = arith.constant 0 : i32
    %dma_start3A_208 = tpu.memref_slice %arg4[%add3A_199, %dma_start3A_207] : memref<32768x1024xf32, #tpu.memory_space<hbm>> -> memref<16x1024xf32, #tpu.memory_space<hbm>>
    %dma_start3A_209 = arith.constant 0 : i32
    %dma_start3A_210 = arith.constant 0 : i32
    %dma_start3A_211 = tpu.memref_slice %arg6[%dma_start3A_200, %dma_start3A_209, %dma_start3A_210] : memref<6x16x1024xf32, #tpu.memory_space<vmem>> -> memref<1x16x1024xf32, #tpu.memory_space<vmem>>
    %dma_start3A_212 = tpu.memref_squeeze %dma_start3A_211 : memref<1x16x1024xf32, #tpu.memory_space<vmem>> -> memref<16x1024xf32, #tpu.memory_space<vmem>>
    tpu.enqueue_dma source(%dma_start3A_212 : memref<16x1024xf32, #tpu.memory_space<vmem>>) target(%dma_start3A_208 : memref<16x1024xf32, #tpu.memory_space<hbm>>) target_semaphore(%arg17 : memref<!tpu.dma_semaphore, #tpu.memory_space<semaphore_mem>>)
    %dma_wait3A_213 = arith.constant 1 : i32
    %dma_wait3A_214 = arith.constant 0 : i32
    %dma_wait3A_215 = arith.constant 0 : i32
    %dma_wait3A_216 = tpu.memref_slice %arg6[%dma_wait3A_213, %dma_wait3A_214, %dma_wait3A_215] : memref<6x16x1024xf32, #tpu.memory_space<vmem>> -> memref<1x16x1024xf32, #tpu.memory_space<vmem>>
    %dma_wait3A_217 = tpu.memref_squeeze %dma_wait3A_216 : memref<1x16x1024xf32, #tpu.memory_space<vmem>> -> memref<16x1024xf32, #tpu.memory_space<vmem>>
    %dma_wait3A_218 = arith.constant 0 : i32
    %dma_wait3A_219 = tpu.memref_slice %arg4[%mul3A_2, %dma_wait3A_218] : memref<32768x1024xf32, #tpu.memory_space<hbm>> -> memref<16x1024xf32, #tpu.memory_space<hbm>>
    %dma_wait3A_220 = arith.constant 0 : i32
    %dma_wait3A_221 = tpu.memref_slice %arg4[%mul3A_2, %dma_wait3A_220] : memref<32768x1024xf32, #tpu.memory_space<hbm>> -> memref<16x1024xf32, #tpu.memory_space<hbm>>
    %dma_wait3A_222 = arith.constant 0 : i32
    %dma_wait3A_223 = arith.constant 0 : i32
    %dma_wait3A_224 = tpu.memref_slice %arg6[%dma_wait3A_213, %dma_wait3A_222, %dma_wait3A_223] : memref<6x16x1024xf32, #tpu.memory_space<vmem>> -> memref<1x16x1024xf32, #tpu.memory_space<vmem>>
    %dma_wait3A_225 = tpu.memref_squeeze %dma_wait3A_224 : memref<1x16x1024xf32, #tpu.memory_space<vmem>> -> memref<16x1024xf32, #tpu.memory_space<vmem>>
    tpu.wait_dma2 semaphore(%arg14 : memref<!tpu.dma_semaphore, #tpu.memory_space<semaphore_mem>>) src(%dma_wait3A_225 : memref<16x1024xf32, #tpu.memory_space<vmem>>) dst(%dma_wait3A_221 : memref<16x1024xf32, #tpu.memory_space<hbm>>)
    %dma_start3A_226 = arith.constant 1 : i32
    %dma_start3A_227 = arith.constant 0 : i32
    %dma_start3A_228 = arith.constant 0 : i32
    %dma_start3A_229 = tpu.memref_slice %arg6[%dma_start3A_226, %dma_start3A_227, %dma_start3A_228] : memref<6x16x1024xf32, #tpu.memory_space<vmem>> -> memref<1x16x1024xf32, #tpu.memory_space<vmem>>
    %dma_start3A_230 = tpu.memref_squeeze %dma_start3A_229 : memref<1x16x1024xf32, #tpu.memory_space<vmem>> -> memref<16x1024xf32, #tpu.memory_space<vmem>>
    %dma_start3A_231 = arith.constant 976 : i32
    %dma_start3A_232 = tpu.memref_slice %arg5[%dma_start3A_231] : memref<1024xi32, #tpu.memory_space<vmem>> -> memref<16xi32, #tpu.memory_space<vmem>>
    %dma_start3A_233 = arith.constant 0 : i32
    %dma_start3A_234 = arith.constant 0 : i32
    %dma_start3A_235 = tpu.memref_slice %arg3[%dma_start3A_233, %dma_start3A_234] : memref<8192x1024xf32, #tpu.memory_space<hbm>> -> memref<8192x1024xf32, #tpu.memory_space<hbm>>
    tpu.enqueue_indirect_dma source(%dma_start3A_235 : memref<8192x1024xf32, #tpu.memory_space<hbm>>) target(%dma_start3A_230 : memref<16x1024xf32, #tpu.memory_space<vmem>>) offsets(%dma_start3A_232 : memref<16xi32, #tpu.memory_space<vmem>>) semaphore(%arg8 : memref<!tpu.dma_semaphore, #tpu.memory_space<semaphore_mem>>)
    %dma_wait3A_236 = arith.constant 5 : i32
    %dma_wait3A_237 = arith.constant 0 : i32
    %dma_wait3A_238 = arith.constant 0 : i32
    %dma_wait3A_239 = tpu.memref_slice %arg6[%dma_wait3A_236, %dma_wait3A_237, %dma_wait3A_238] : memref<6x16x1024xf32, #tpu.memory_space<vmem>> -> memref<1x16x1024xf32, #tpu.memory_space<vmem>>
    %dma_wait3A_240 = tpu.memref_squeeze %dma_wait3A_239 : memref<1x16x1024xf32, #tpu.memory_space<vmem>> -> memref<16x1024xf32, #tpu.memory_space<vmem>>
    %dma_wait3A_241 = arith.constant 0 : i32
    %dma_wait3A_242 = tpu.memref_slice %arg5[%dma_wait3A_241] : memref<1024xi32, #tpu.memory_space<vmem>> -> memref<16xi32, #tpu.memory_space<vmem>>
    %dma_wait3A_243 = arith.constant 0 : i32
    %dma_wait3A_244 = arith.constant 0 : i32
    %dma_wait3A_245 = tpu.memref_slice %arg3[%dma_wait3A_243, %dma_wait3A_244] : memref<8192x1024xf32, #tpu.memory_space<hbm>> -> memref<8192x1024xf32, #tpu.memory_space<hbm>>
    tpu.wait_indirect_dma semaphore(%arg12 : memref<!tpu.dma_semaphore, #tpu.memory_space<semaphore_mem>>) src(%dma_wait3A_245 : memref<8192x1024xf32, #tpu.memory_space<hbm>>) dst(%dma_wait3A_240 : memref<16x1024xf32, #tpu.memory_space<vmem>>)
    %add3A_246 = arith.constant 944 : i32
    %add3A_247 = arith.addi %mul3A_2, %add3A_246 : i32
    %dma_start3A_248 = arith.constant 5 : i32
    %dma_start3A_249 = arith.constant 0 : i32
    %dma_start3A_250 = arith.constant 0 : i32
    %dma_start3A_251 = tpu.memref_slice %arg6[%dma_start3A_248, %dma_start3A_249, %dma_start3A_250] : memref<6x16x1024xf32, #tpu.memory_space<vmem>> -> memref<1x16x1024xf32, #tpu.memory_space<vmem>>
    %dma_start3A_252 = tpu.memref_squeeze %dma_start3A_251 : memref<1x16x1024xf32, #tpu.memory_space<vmem>> -> memref<16x1024xf32, #tpu.memory_space<vmem>>
    %dma_start3A_253 = arith.constant 0 : i32
    %dma_start3A_254 = tpu.memref_slice %arg4[%add3A_247, %dma_start3A_253] : memref<32768x1024xf32, #tpu.memory_space<hbm>> -> memref<16x1024xf32, #tpu.memory_space<hbm>>
    %dma_start3A_255 = arith.constant 0 : i32
    %dma_start3A_256 = tpu.memref_slice %arg4[%add3A_247, %dma_start3A_255] : memref<32768x1024xf32, #tpu.memory_space<hbm>> -> memref<16x1024xf32, #tpu.memory_space<hbm>>
    %dma_start3A_257 = arith.constant 0 : i32
    %dma_start3A_258 = arith.constant 0 : i32
    %dma_start3A_259 = tpu.memref_slice %arg6[%dma_start3A_248, %dma_start3A_257, %dma_start3A_258] : memref<6x16x1024xf32, #tpu.memory_space<vmem>> -> memref<1x16x1024xf32, #tpu.memory_space<vmem>>
    %dma_start3A_260 = tpu.memref_squeeze %dma_start3A_259 : memref<1x16x1024xf32, #tpu.memory_space<vmem>> -> memref<16x1024xf32, #tpu.memory_space<vmem>>
    tpu.enqueue_dma source(%dma_start3A_260 : memref<16x1024xf32, #tpu.memory_space<vmem>>) target(%dma_start3A_256 : memref<16x1024xf32, #tpu.memory_space<hbm>>) target_semaphore(%arg18 : memref<!tpu.dma_semaphore, #tpu.memory_space<semaphore_mem>>)
    %dma_wait3A_261 = arith.constant 2 : i32
    %dma_wait3A_262 = arith.constant 0 : i32
    %dma_wait3A_263 = arith.constant 0 : i32
    %dma_wait3A_264 = tpu.memref_slice %arg6[%dma_wait3A_261, %dma_wait3A_262, %dma_wait3A_263] : memref<6x16x1024xf32, #tpu.memory_space<vmem>> -> memref<1x16x1024xf32, #tpu.memory_space<vmem>>
    %dma_wait3A_265 = tpu.memref_squeeze %dma_wait3A_264 : memref<1x16x1024xf32, #tpu.memory_space<vmem>> -> memref<16x1024xf32, #tpu.memory_space<vmem>>
    %dma_wait3A_266 = arith.constant 0 : i32
    %dma_wait3A_267 = tpu.memref_slice %arg4[%mul3A_2, %dma_wait3A_266] : memref<32768x1024xf32, #tpu.memory_space<hbm>> -> memref<16x1024xf32, #tpu.memory_space<hbm>>
    %dma_wait3A_268 = arith.constant 0 : i32
    %dma_wait3A_269 = tpu.memref_slice %arg4[%mul3A_2, %dma_wait3A_268] : memref<32768x1024xf32, #tpu.memory_space<hbm>> -> memref<16x1024xf32, #tpu.memory_space<hbm>>
    %dma_wait3A_270 = arith.constant 0 : i32
    %dma_wait3A_271 = arith.constant 0 : i32
    %dma_wait3A_272 = tpu.memref_slice %arg6[%dma_wait3A_261, %dma_wait3A_270, %dma_wait3A_271] : memref<6x16x1024xf32, #tpu.memory_space<vmem>> -> memref<1x16x1024xf32, #tpu.memory_space<vmem>>
    %dma_wait3A_273 = tpu.memref_squeeze %dma_wait3A_272 : memref<1x16x1024xf32, #tpu.memory_space<vmem>> -> memref<16x1024xf32, #tpu.memory_space<vmem>>
    tpu.wait_dma2 semaphore(%arg15 : memref<!tpu.dma_semaphore, #tpu.memory_space<semaphore_mem>>) src(%dma_wait3A_273 : memref<16x1024xf32, #tpu.memory_space<vmem>>) dst(%dma_wait3A_269 : memref<16x1024xf32, #tpu.memory_space<hbm>>)
    %dma_start3A_274 = arith.constant 2 : i32
    %dma_start3A_275 = arith.constant 0 : i32
    %dma_start3A_276 = arith.constant 0 : i32
    %dma_start3A_277 = tpu.memref_slice %arg6[%dma_start3A_274, %dma_start3A_275, %dma_start3A_276] : memref<6x16x1024xf32, #tpu.memory_space<vmem>> -> memref<1x16x1024xf32, #tpu.memory_space<vmem>>
    %dma_start3A_278 = tpu.memref_squeeze %dma_start3A_277 : memref<1x16x1024xf32, #tpu.memory_space<vmem>> -> memref<16x1024xf32, #tpu.memory_space<vmem>>
    %dma_start3A_279 = arith.constant 992 : i32
    %dma_start3A_280 = tpu.memref_slice %arg5[%dma_start3A_279] : memref<1024xi32, #tpu.memory_space<vmem>> -> memref<16xi32, #tpu.memory_space<vmem>>
    %dma_start3A_281 = arith.constant 0 : i32
    %dma_start3A_282 = arith.constant 0 : i32
    %dma_start3A_283 = tpu.memref_slice %arg3[%dma_start3A_281, %dma_start3A_282] : memref<8192x1024xf32, #tpu.memory_space<hbm>> -> memref<8192x1024xf32, #tpu.memory_space<hbm>>
    tpu.enqueue_indirect_dma source(%dma_start3A_283 : memref<8192x1024xf32, #tpu.memory_space<hbm>>) target(%dma_start3A_278 : memref<16x1024xf32, #tpu.memory_space<vmem>>) offsets(%dma_start3A_280 : memref<16xi32, #tpu.memory_space<vmem>>) semaphore(%arg9 : memref<!tpu.dma_semaphore, #tpu.memory_space<semaphore_mem>>)
    %dma_wait3A_284 = arith.constant 0 : i32
    %dma_wait3A_285 = arith.constant 0 : i32
    %dma_wait3A_286 = arith.constant 0 : i32
    %dma_wait3A_287 = tpu.memref_slice %arg6[%dma_wait3A_284, %dma_wait3A_285, %dma_wait3A_286] : memref<6x16x1024xf32, #tpu.memory_space<vmem>> -> memref<1x16x1024xf32, #tpu.memory_space<vmem>>
    %dma_wait3A_288 = tpu.memref_squeeze %dma_wait3A_287 : memref<1x16x1024xf32, #tpu.memory_space<vmem>> -> memref<16x1024xf32, #tpu.memory_space<vmem>>
    %dma_wait3A_289 = arith.constant 0 : i32
    %dma_wait3A_290 = tpu.memref_slice %arg5[%dma_wait3A_289] : memref<1024xi32, #tpu.memory_space<vmem>> -> memref<16xi32, #tpu.memory_space<vmem>>
    %dma_wait3A_291 = arith.constant 0 : i32
    %dma_wait3A_292 = arith.constant 0 : i32
    %dma_wait3A_293 = tpu.memref_slice %arg3[%dma_wait3A_291, %dma_wait3A_292] : memref<8192x1024xf32, #tpu.memory_space<hbm>> -> memref<8192x1024xf32, #tpu.memory_space<hbm>>
    tpu.wait_indirect_dma semaphore(%arg7 : memref<!tpu.dma_semaphore, #tpu.memory_space<semaphore_mem>>) src(%dma_wait3A_293 : memref<8192x1024xf32, #tpu.memory_space<hbm>>) dst(%dma_wait3A_288 : memref<16x1024xf32, #tpu.memory_space<vmem>>)
    %add3A_294 = arith.constant 960 : i32
    %add3A_295 = arith.addi %mul3A_2, %add3A_294 : i32
    %dma_start3A_296 = arith.constant 0 : i32
    %dma_start3A_297 = arith.constant 0 : i32
    %dma_start3A_298 = arith.constant 0 : i32
    %dma_start3A_299 = tpu.memref_slice %arg6[%dma_start3A_296, %dma_start3A_297, %dma_start3A_298] : memref<6x16x1024xf32, #tpu.memory_space<vmem>> -> memref<1x16x1024xf32, #tpu.memory_space<vmem>>
    %dma_start3A_300 = tpu.memref_squeeze %dma_start3A_299 : memref<1x16x1024xf32, #tpu.memory_space<vmem>> -> memref<16x1024xf32, #tpu.memory_space<vmem>>
    %dma_start3A_301 = arith.constant 0 : i32
    %dma_start3A_302 = tpu.memref_slice %arg4[%add3A_295, %dma_start3A_301] : memref<32768x1024xf32, #tpu.memory_space<hbm>> -> memref<16x1024xf32, #tpu.memory_space<hbm>>
    %dma_start3A_303 = arith.constant 0 : i32
    %dma_start3A_304 = tpu.memref_slice %arg4[%add3A_295, %dma_start3A_303] : memref<32768x1024xf32, #tpu.memory_space<hbm>> -> memref<16x1024xf32, #tpu.memory_space<hbm>>
    %dma_start3A_305 = arith.constant 0 : i32
    %dma_start3A_306 = arith.constant 0 : i32
    %dma_start3A_307 = tpu.memref_slice %arg6[%dma_start3A_296, %dma_start3A_305, %dma_start3A_306] : memref<6x16x1024xf32, #tpu.memory_space<vmem>> -> memref<1x16x1024xf32, #tpu.memory_space<vmem>>
    %dma_start3A_308 = tpu.memref_squeeze %dma_start3A_307 : memref<1x16x1024xf32, #tpu.memory_space<vmem>> -> memref<16x1024xf32, #tpu.memory_space<vmem>>
    tpu.enqueue_dma source(%dma_start3A_308 : memref<16x1024xf32, #tpu.memory_space<vmem>>) target(%dma_start3A_304 : memref<16x1024xf32, #tpu.memory_space<hbm>>) target_semaphore(%arg13 : memref<!tpu.dma_semaphore, #tpu.memory_space<semaphore_mem>>)
    %dma_wait3A_309 = arith.constant 3 : i32
    %dma_wait3A_310 = arith.constant 0 : i32
    %dma_wait3A_311 = arith.constant 0 : i32
    %dma_wait3A_312 = tpu.memref_slice %arg6[%dma_wait3A_309, %dma_wait3A_310, %dma_wait3A_311] : memref<6x16x1024xf32, #tpu.memory_space<vmem>> -> memref<1x16x1024xf32, #tpu.memory_space<vmem>>
    %dma_wait3A_313 = tpu.memref_squeeze %dma_wait3A_312 : memref<1x16x1024xf32, #tpu.memory_space<vmem>> -> memref<16x1024xf32, #tpu.memory_space<vmem>>
    %dma_wait3A_314 = arith.constant 0 : i32
    %dma_wait3A_315 = tpu.memref_slice %arg4[%mul3A_2, %dma_wait3A_314] : memref<32768x1024xf32, #tpu.memory_space<hbm>> -> memref<16x1024xf32, #tpu.memory_space<hbm>>
    %dma_wait3A_316 = arith.constant 0 : i32
    %dma_wait3A_317 = tpu.memref_slice %arg4[%mul3A_2, %dma_wait3A_316] : memref<32768x1024xf32, #tpu.memory_space<hbm>> -> memref<16x1024xf32, #tpu.memory_space<hbm>>
    %dma_wait3A_318 = arith.constant 0 : i32
    %dma_wait3A_319 = arith.constant 0 : i32
    %dma_wait3A_320 = tpu.memref_slice %arg6[%dma_wait3A_309, %dma_wait3A_318, %dma_wait3A_319] : memref<6x16x1024xf32, #tpu.memory_space<vmem>> -> memref<1x16x1024xf32, #tpu.memory_space<vmem>>
    %dma_wait3A_321 = tpu.memref_squeeze %dma_wait3A_320 : memref<1x16x1024xf32, #tpu.memory_space<vmem>> -> memref<16x1024xf32, #tpu.memory_space<vmem>>
    tpu.wait_dma2 semaphore(%arg16 : memref<!tpu.dma_semaphore, #tpu.memory_space<semaphore_mem>>) src(%dma_wait3A_321 : memref<16x1024xf32, #tpu.memory_space<vmem>>) dst(%dma_wait3A_317 : memref<16x1024xf32, #tpu.memory_space<hbm>>)
    %dma_start3A_322 = arith.constant 3 : i32
    %dma_start3A_323 = arith.constant 0 : i32
    %dma_start3A_324 = arith.constant 0 : i32
    %dma_start3A_325 = tpu.memref_slice %arg6[%dma_start3A_322, %dma_start3A_323, %dma_start3A_324] : memref<6x16x1024xf32, #tpu.memory_space<vmem>> -> memref<1x16x1024xf32, #tpu.memory_space<vmem>>
    %dma_start3A_326 = tpu.memref_squeeze %dma_start3A_325 : memref<1x16x1024xf32, #tpu.memory_space<vmem>> -> memref<16x1024xf32, #tpu.memory_space<vmem>>
    %dma_start3A_327 = arith.constant 1008 : i32
    %dma_start3A_328 = tpu.memref_slice %arg5[%dma_start3A_327] : memref<1024xi32, #tpu.memory_space<vmem>> -> memref<16xi32, #tpu.memory_space<vmem>>
    %dma_start3A_329 = arith.constant 0 : i32
    %dma_start3A_330 = arith.constant 0 : i32
    %dma_start3A_331 = tpu.memref_slice %arg3[%dma_start3A_329, %dma_start3A_330] : memref<8192x1024xf32, #tpu.memory_space<hbm>> -> memref<8192x1024xf32, #tpu.memory_space<hbm>>
    tpu.enqueue_indirect_dma source(%dma_start3A_331 : memref<8192x1024xf32, #tpu.memory_space<hbm>>) target(%dma_start3A_326 : memref<16x1024xf32, #tpu.memory_space<vmem>>) offsets(%dma_start3A_328 : memref<16xi32, #tpu.memory_space<vmem>>) semaphore(%arg10 : memref<!tpu.dma_semaphore, #tpu.memory_space<semaphore_mem>>)
    %dma_wait3A_332 = arith.constant 1 : i32
    %dma_wait3A_333 = arith.constant 0 : i32
    %dma_wait3A_334 = arith.constant 0 : i32
    %dma_wait3A_335 = tpu.memref_slice %arg6[%dma_wait3A_332, %dma_wait3A_333, %dma_wait3A_334] : memref<6x16x1024xf32, #tpu.memory_space<vmem>> -> memref<1x16x1024xf32, #tpu.memory_space<vmem>>
    %dma_wait3A_336 = tpu.memref_squeeze %dma_wait3A_335 : memref<1x16x1024xf32, #tpu.memory_space<vmem>> -> memref<16x1024xf32, #tpu.memory_space<vmem>>
    %dma_wait3A_337 = arith.constant 0 : i32
    %dma_wait3A_338 = tpu.memref_slice %arg5[%dma_wait3A_337] : memref<1024xi32, #tpu.memory_space<vmem>> -> memref<16xi32, #tpu.memory_space<vmem>>
    %dma_wait3A_339 = arith.constant 0 : i32
    %dma_wait3A_340 = arith.constant 0 : i32
    %dma_wait3A_341 = tpu.memref_slice %arg3[%dma_wait3A_339, %dma_wait3A_340] : memref<8192x1024xf32, #tpu.memory_space<hbm>> -> memref<8192x1024xf32, #tpu.memory_space<hbm>>
    tpu.wait_indirect_dma semaphore(%arg8 : memref<!tpu.dma_semaphore, #tpu.memory_space<semaphore_mem>>) src(%dma_wait3A_341 : memref<8192x1024xf32, #tpu.memory_space<hbm>>) dst(%dma_wait3A_336 : memref<16x1024xf32, #tpu.memory_space<vmem>>)
    %add3A_342 = arith.constant 976 : i32
    %add3A_343 = arith.addi %mul3A_2, %add3A_342 : i32
    %dma_start3A_344 = arith.constant 1 : i32
    %dma_start3A_345 = arith.constant 0 : i32
    %dma_start3A_346 = arith.constant 0 : i32
    %dma_start3A_347 = tpu.memref_slice %arg6[%dma_start3A_344, %dma_start3A_345, %dma_start3A_346] : memref<6x16x1024xf32, #tpu.memory_space<vmem>> -> memref<1x16x1024xf32, #tpu.memory_space<vmem>>
    %dma_start3A_348 = tpu.memref_squeeze %dma_start3A_347 : memref<1x16x1024xf32, #tpu.memory_space<vmem>> -> memref<16x1024xf32, #tpu.memory_space<vmem>>
    %dma_start3A_349 = arith.constant 0 : i32
    %dma_start3A_350 = tpu.memref_slice %arg4[%add3A_343, %dma_start3A_349] : memref<32768x1024xf32, #tpu.memory_space<hbm>> -> memref<16x1024xf32, #tpu.memory_space<hbm>>
    %dma_start3A_351 = arith.constant 0 : i32
    %dma_start3A_352 = tpu.memref_slice %arg4[%add3A_343, %dma_start3A_351] : memref<32768x1024xf32, #tpu.memory_space<hbm>> -> memref<16x1024xf32, #tpu.memory_space<hbm>>
    %dma_start3A_353 = arith.constant 0 : i32
    %dma_start3A_354 = arith.constant 0 : i32
    %dma_start3A_355 = tpu.memref_slice %arg6[%dma_start3A_344, %dma_start3A_353, %dma_start3A_354] : memref<6x16x1024xf32, #tpu.memory_space<vmem>> -> memref<1x16x1024xf32, #tpu.memory_space<vmem>>
    %dma_start3A_356 = tpu.memref_squeeze %dma_start3A_355 : memref<1x16x1024xf32, #tpu.memory_space<vmem>> -> memref<16x1024xf32, #tpu.memory_space<vmem>>
    tpu.enqueue_dma source(%dma_start3A_356 : memref<16x1024xf32, #tpu.memory_space<vmem>>) target(%dma_start3A_352 : memref<16x1024xf32, #tpu.memory_space<hbm>>) target_semaphore(%arg14 : memref<!tpu.dma_semaphore, #tpu.memory_space<semaphore_mem>>)
    %dma_wait3A_357 = arith.constant 4 : i32
    %dma_wait3A_358 = arith.constant 0 : i32
    %dma_wait3A_359 = arith.constant 0 : i32
    %dma_wait3A_360 = tpu.memref_slice %arg6[%dma_wait3A_357, %dma_wait3A_358, %dma_wait3A_359] : memref<6x16x1024xf32, #tpu.memory_space<vmem>> -> memref<1x16x1024xf32, #tpu.memory_space<vmem>>
    %dma_wait3A_361 = tpu.memref_squeeze %dma_wait3A_360 : memref<1x16x1024xf32, #tpu.memory_space<vmem>> -> memref<16x1024xf32, #tpu.memory_space<vmem>>
    %dma_wait3A_362 = arith.constant 0 : i32
    %dma_wait3A_363 = tpu.memref_slice %arg4[%mul3A_2, %dma_wait3A_362] : memref<32768x1024xf32, #tpu.memory_space<hbm>> -> memref<16x1024xf32, #tpu.memory_space<hbm>>
    %dma_wait3A_364 = arith.constant 0 : i32
    %dma_wait3A_365 = tpu.memref_slice %arg4[%mul3A_2, %dma_wait3A_364] : memref<32768x1024xf32, #tpu.memory_space<hbm>> -> memref<16x1024xf32, #tpu.memory_space<hbm>>
    %dma_wait3A_366 = arith.constant 0 : i32
    %dma_wait3A_367 = arith.constant 0 : i32
    %dma_wait3A_368 = tpu.memref_slice %arg6[%dma_wait3A_357, %dma_wait3A_366, %dma_wait3A_367] : memref<6x16x1024xf32, #tpu.memory_space<vmem>> -> memref<1x16x1024xf32, #tpu.memory_space<vmem>>
    %dma_wait3A_369 = tpu.memref_squeeze %dma_wait3A_368 : memref<1x16x1024xf32, #tpu.memory_space<vmem>> -> memref<16x1024xf32, #tpu.memory_space<vmem>>
    tpu.wait_dma2 semaphore(%arg17 : memref<!tpu.dma_semaphore, #tpu.memory_space<semaphore_mem>>) src(%dma_wait3A_369 : memref<16x1024xf32, #tpu.memory_space<vmem>>) dst(%dma_wait3A_365 : memref<16x1024xf32, #tpu.memory_space<hbm>>)
    %dma_wait3A_370 = arith.constant 2 : i32
    %dma_wait3A_371 = arith.constant 0 : i32
    %dma_wait3A_372 = arith.constant 0 : i32
    %dma_wait3A_373 = tpu.memref_slice %arg6[%dma_wait3A_370, %dma_wait3A_371, %dma_wait3A_372] : memref<6x16x1024xf32, #tpu.memory_space<vmem>> -> memref<1x16x1024xf32, #tpu.memory_space<vmem>>
    %dma_wait3A_374 = tpu.memref_squeeze %dma_wait3A_373 : memref<1x16x1024xf32, #tpu.memory_space<vmem>> -> memref<16x1024xf32, #tpu.memory_space<vmem>>
    %dma_wait3A_375 = arith.constant 0 : i32
    %dma_wait3A_376 = tpu.memref_slice %arg5[%dma_wait3A_375] : memref<1024xi32, #tpu.memory_space<vmem>> -> memref<16xi32, #tpu.memory_space<vmem>>
    %dma_wait3A_377 = arith.constant 0 : i32
    %dma_wait3A_378 = arith.constant 0 : i32
    %dma_wait3A_379 = tpu.memref_slice %arg3[%dma_wait3A_377, %dma_wait3A_378] : memref<8192x1024xf32, #tpu.memory_space<hbm>> -> memref<8192x1024xf32, #tpu.memory_space<hbm>>
    tpu.wait_indirect_dma semaphore(%arg9 : memref<!tpu.dma_semaphore, #tpu.memory_space<semaphore_mem>>) src(%dma_wait3A_379 : memref<8192x1024xf32, #tpu.memory_space<hbm>>) dst(%dma_wait3A_374 : memref<16x1024xf32, #tpu.memory_space<vmem>>)
    %add3A_380 = arith.constant 992 : i32
    %add3A_381 = arith.addi %mul3A_2, %add3A_380 : i32
    %dma_start3A_382 = arith.constant 2 : i32
    %dma_start3A_383 = arith.constant 0 : i32
    %dma_start3A_384 = arith.constant 0 : i32
    %dma_start3A_385 = tpu.memref_slice %arg6[%dma_start3A_382, %dma_start3A_383, %dma_start3A_384] : memref<6x16x1024xf32, #tpu.memory_space<vmem>> -> memref<1x16x1024xf32, #tpu.memory_space<vmem>>
    %dma_start3A_386 = tpu.memref_squeeze %dma_start3A_385 : memref<1x16x1024xf32, #tpu.memory_space<vmem>> -> memref<16x1024xf32, #tpu.memory_space<vmem>>
    %dma_start3A_387 = arith.constant 0 : i32
    %dma_start3A_388 = tpu.memref_slice %arg4[%add3A_381, %dma_start3A_387] : memref<32768x1024xf32, #tpu.memory_space<hbm>> -> memref<16x1024xf32, #tpu.memory_space<hbm>>
    %dma_start3A_389 = arith.constant 0 : i32
    %dma_start3A_390 = tpu.memref_slice %arg4[%add3A_381, %dma_start3A_389] : memref<32768x1024xf32, #tpu.memory_space<hbm>> -> memref<16x1024xf32, #tpu.memory_space<hbm>>
    %dma_start3A_391 = arith.constant 0 : i32
    %dma_start3A_392 = arith.constant 0 : i32
    %dma_start3A_393 = tpu.memref_slice %arg6[%dma_start3A_382, %dma_start3A_391, %dma_start3A_392] : memref<6x16x1024xf32, #tpu.memory_space<vmem>> -> memref<1x16x1024xf32, #tpu.memory_space<vmem>>
    %dma_start3A_394 = tpu.memref_squeeze %dma_start3A_393 : memref<1x16x1024xf32, #tpu.memory_space<vmem>> -> memref<16x1024xf32, #tpu.memory_space<vmem>>
    tpu.enqueue_dma source(%dma_start3A_394 : memref<16x1024xf32, #tpu.memory_space<vmem>>) target(%dma_start3A_390 : memref<16x1024xf32, #tpu.memory_space<hbm>>) target_semaphore(%arg15 : memref<!tpu.dma_semaphore, #tpu.memory_space<semaphore_mem>>)
    %dma_wait3A_395 = arith.constant 5 : i32
    %dma_wait3A_396 = arith.constant 0 : i32
    %dma_wait3A_397 = arith.constant 0 : i32
    %dma_wait3A_398 = tpu.memref_slice %arg6[%dma_wait3A_395, %dma_wait3A_396, %dma_wait3A_397] : memref<6x16x1024xf32, #tpu.memory_space<vmem>> -> memref<1x16x1024xf32, #tpu.memory_space<vmem>>
    %dma_wait3A_399 = tpu.memref_squeeze %dma_wait3A_398 : memref<1x16x1024xf32, #tpu.memory_space<vmem>> -> memref<16x1024xf32, #tpu.memory_space<vmem>>
    %dma_wait3A_400 = arith.constant 0 : i32
    %dma_wait3A_401 = tpu.memref_slice %arg4[%mul3A_2, %dma_wait3A_400] : memref<32768x1024xf32, #tpu.memory_space<hbm>> -> memref<16x1024xf32, #tpu.memory_space<hbm>>
    %dma_wait3A_402 = arith.constant 0 : i32
    %dma_wait3A_403 = tpu.memref_slice %arg4[%mul3A_2, %dma_wait3A_402] : memref<32768x1024xf32, #tpu.memory_space<hbm>> -> memref<16x1024xf32, #tpu.memory_space<hbm>>
    %dma_wait3A_404 = arith.constant 0 : i32
    %dma_wait3A_405 = arith.constant 0 : i32
    %dma_wait3A_406 = tpu.memref_slice %arg6[%dma_wait3A_395, %dma_wait3A_404, %dma_wait3A_405] : memref<6x16x1024xf32, #tpu.memory_space<vmem>> -> memref<1x16x1024xf32, #tpu.memory_space<vmem>>
    %dma_wait3A_407 = tpu.memref_squeeze %dma_wait3A_406 : memref<1x16x1024xf32, #tpu.memory_space<vmem>> -> memref<16x1024xf32, #tpu.memory_space<vmem>>
    tpu.wait_dma2 semaphore(%arg18 : memref<!tpu.dma_semaphore, #tpu.memory_space<semaphore_mem>>) src(%dma_wait3A_407 : memref<16x1024xf32, #tpu.memory_space<vmem>>) dst(%dma_wait3A_403 : memref<16x1024xf32, #tpu.memory_space<hbm>>)
    %dma_wait3A_408 = arith.constant 3 : i32
    %dma_wait3A_409 = arith.constant 0 : i32
    %dma_wait3A_410 = arith.constant 0 : i32
    %dma_wait3A_411 = tpu.memref_slice %arg6[%dma_wait3A_408, %dma_wait3A_409, %dma_wait3A_410] : memref<6x16x1024xf32, #tpu.memory_space<vmem>> -> memref<1x16x1024xf32, #tpu.memory_space<vmem>>
    %dma_wait3A_412 = tpu.memref_squeeze %dma_wait3A_411 : memref<1x16x1024xf32, #tpu.memory_space<vmem>> -> memref<16x1024xf32, #tpu.memory_space<vmem>>
    %dma_wait3A_413 = arith.constant 0 : i32
    %dma_wait3A_414 = tpu.memref_slice %arg5[%dma_wait3A_413] : memref<1024xi32, #tpu.memory_space<vmem>> -> memref<16xi32, #tpu.memory_space<vmem>>
    %dma_wait3A_415 = arith.constant 0 : i32
    %dma_wait3A_416 = arith.constant 0 : i32
    %dma_wait3A_417 = tpu.memref_slice %arg3[%dma_wait3A_415, %dma_wait3A_416] : memref<8192x1024xf32, #tpu.memory_space<hbm>> -> memref<8192x1024xf32, #tpu.memory_space<hbm>>
    tpu.wait_indirect_dma semaphore(%arg10 : memref<!tpu.dma_semaphore, #tpu.memory_space<semaphore_mem>>) src(%dma_wait3A_417 : memref<8192x1024xf32, #tpu.memory_space<hbm>>) dst(%dma_wait3A_412 : memref<16x1024xf32, #tpu.memory_space<vmem>>)
    %add3A_418 = arith.constant 1008 : i32
    %add3A_419 = arith.addi %mul3A_2, %add3A_418 : i32
    %dma_start3A_420 = arith.constant 3 : i32
    %dma_start3A_421 = arith.constant 0 : i32
    %dma_start3A_422 = arith.constant 0 : i32
    %dma_start3A_423 = tpu.memref_slice %arg6[%dma_start3A_420, %dma_start3A_421, %dma_start3A_422] : memref<6x16x1024xf32, #tpu.memory_space<vmem>> -> memref<1x16x1024xf32, #tpu.memory_space<vmem>>
    %dma_start3A_424 = tpu.memref_squeeze %dma_start3A_423 : memref<1x16x1024xf32, #tpu.memory_space<vmem>> -> memref<16x1024xf32, #tpu.memory_space<vmem>>
    %dma_start3A_425 = arith.constant 0 : i32
    %dma_start3A_426 = tpu.memref_slice %arg4[%add3A_419, %dma_start3A_425] : memref<32768x1024xf32, #tpu.memory_space<hbm>> -> memref<16x1024xf32, #tpu.memory_space<hbm>>
    %dma_start3A_427 = arith.constant 0 : i32
    %dma_start3A_428 = tpu.memref_slice %arg4[%add3A_419, %dma_start3A_427] : memref<32768x1024xf32, #tpu.memory_space<hbm>> -> memref<16x1024xf32, #tpu.memory_space<hbm>>
    %dma_start3A_429 = arith.constant 0 : i32
    %dma_start3A_430 = arith.constant 0 : i32
    %dma_start3A_431 = tpu.memref_slice %arg6[%dma_start3A_420, %dma_start3A_429, %dma_start3A_430] : memref<6x16x1024xf32, #tpu.memory_space<vmem>> -> memref<1x16x1024xf32, #tpu.memory_space<vmem>>
    %dma_start3A_432 = tpu.memref_squeeze %dma_start3A_431 : memref<1x16x1024xf32, #tpu.memory_space<vmem>> -> memref<16x1024xf32, #tpu.memory_space<vmem>>
    tpu.enqueue_dma source(%dma_start3A_432 : memref<16x1024xf32, #tpu.memory_space<vmem>>) target(%dma_start3A_428 : memref<16x1024xf32, #tpu.memory_space<hbm>>) target_semaphore(%arg16 : memref<!tpu.dma_semaphore, #tpu.memory_space<semaphore_mem>>)
    %dma_wait3A_433 = arith.constant 0 : i32
    %dma_wait3A_434 = arith.constant 0 : i32
    %dma_wait3A_435 = arith.constant 0 : i32
    %dma_wait3A_436 = tpu.memref_slice %arg6[%dma_wait3A_433, %dma_wait3A_434, %dma_wait3A_435] : memref<6x16x1024xf32, #tpu.memory_space<vmem>> -> memref<1x16x1024xf32, #tpu.memory_space<vmem>>
    %dma_wait3A_437 = tpu.memref_squeeze %dma_wait3A_436 : memref<1x16x1024xf32, #tpu.memory_space<vmem>> -> memref<16x1024xf32, #tpu.memory_space<vmem>>
    %dma_wait3A_438 = arith.constant 0 : i32
    %dma_wait3A_439 = tpu.memref_slice %arg4[%mul3A_2, %dma_wait3A_438] : memref<32768x1024xf32, #tpu.memory_space<hbm>> -> memref<16x1024xf32, #tpu.memory_space<hbm>>
    %dma_wait3A_440 = arith.constant 0 : i32
    %dma_wait3A_441 = tpu.memref_slice %arg4[%mul3A_2, %dma_wait3A_440] : memref<32768x1024xf32, #tpu.memory_space<hbm>> -> memref<16x1024xf32, #tpu.memory_space<hbm>>
    %dma_wait3A_442 = arith.constant 0 : i32
    %dma_wait3A_443 = arith.constant 0 : i32
    %dma_wait3A_444 = tpu.memref_slice %arg6[%dma_wait3A_433, %dma_wait3A_442, %dma_wait3A_443] : memref<6x16x1024xf32, #tpu.memory_space<vmem>> -> memref<1x16x1024xf32, #tpu.memory_space<vmem>>
    %dma_wait3A_445 = tpu.memref_squeeze %dma_wait3A_444 : memref<1x16x1024xf32, #tpu.memory_space<vmem>> -> memref<16x1024xf32, #tpu.memory_space<vmem>>
    tpu.wait_dma2 semaphore(%arg13 : memref<!tpu.dma_semaphore, #tpu.memory_space<semaphore_mem>>) src(%dma_wait3A_445 : memref<16x1024xf32, #tpu.memory_space<vmem>>) dst(%dma_wait3A_441 : memref<16x1024xf32, #tpu.memory_space<hbm>>)
    %dma_wait3A_446 = arith.constant 1 : i32
    %dma_wait3A_447 = arith.constant 0 : i32
    %dma_wait3A_448 = arith.constant 0 : i32
    %dma_wait3A_449 = tpu.memref_slice %arg6[%dma_wait3A_446, %dma_wait3A_447, %dma_wait3A_448] : memref<6x16x1024xf32, #tpu.memory_space<vmem>> -> memref<1x16x1024xf32, #tpu.memory_space<vmem>>
    %dma_wait3A_450 = tpu.memref_squeeze %dma_wait3A_449 : memref<1x16x1024xf32, #tpu.memory_space<vmem>> -> memref<16x1024xf32, #tpu.memory_space<vmem>>
    %dma_wait3A_451 = arith.constant 0 : i32
    %dma_wait3A_452 = tpu.memref_slice %arg4[%mul3A_2, %dma_wait3A_451] : memref<32768x1024xf32, #tpu.memory_space<hbm>> -> memref<16x1024xf32, #tpu.memory_space<hbm>>
    %dma_wait3A_453 = arith.constant 0 : i32
    %dma_wait3A_454 = tpu.memref_slice %arg4[%mul3A_2, %dma_wait3A_453] : memref<32768x1024xf32, #tpu.memory_space<hbm>> -> memref<16x1024xf32, #tpu.memory_space<hbm>>
    %dma_wait3A_455 = arith.constant 0 : i32
    %dma_wait3A_456 = arith.constant 0 : i32
    %dma_wait3A_457 = tpu.memref_slice %arg6[%dma_wait3A_446, %dma_wait3A_455, %dma_wait3A_456] : memref<6x16x1024xf32, #tpu.memory_space<vmem>> -> memref<1x16x1024xf32, #tpu.memory_space<vmem>>
    %dma_wait3A_458 = tpu.memref_squeeze %dma_wait3A_457 : memref<1x16x1024xf32, #tpu.memory_space<vmem>> -> memref<16x1024xf32, #tpu.memory_space<vmem>>
    tpu.wait_dma2 semaphore(%arg14 : memref<!tpu.dma_semaphore, #tpu.memory_space<semaphore_mem>>) src(%dma_wait3A_458 : memref<16x1024xf32, #tpu.memory_space<vmem>>) dst(%dma_wait3A_454 : memref<16x1024xf32, #tpu.memory_space<hbm>>)
    %dma_wait3A_459 = arith.constant 2 : i32
    %dma_wait3A_460 = arith.constant 0 : i32
    %dma_wait3A_461 = arith.constant 0 : i32
    %dma_wait3A_462 = tpu.memref_slice %arg6[%dma_wait3A_459, %dma_wait3A_460, %dma_wait3A_461] : memref<6x16x1024xf32, #tpu.memory_space<vmem>> -> memref<1x16x1024xf32, #tpu.memory_space<vmem>>
    %dma_wait3A_463 = tpu.memref_squeeze %dma_wait3A_462 : memref<1x16x1024xf32, #tpu.memory_space<vmem>> -> memref<16x1024xf32, #tpu.memory_space<vmem>>
    %dma_wait3A_464 = arith.constant 0 : i32
    %dma_wait3A_465 = tpu.memref_slice %arg4[%mul3A_2, %dma_wait3A_464] : memref<32768x1024xf32, #tpu.memory_space<hbm>> -> memref<16x1024xf32, #tpu.memory_space<hbm>>
    %dma_wait3A_466 = arith.constant 0 : i32
    %dma_wait3A_467 = tpu.memref_slice %arg4[%mul3A_2, %dma_wait3A_466] : memref<32768x1024xf32, #tpu.memory_space<hbm>> -> memref<16x1024xf32, #tpu.memory_space<hbm>>
    %dma_wait3A_468 = arith.constant 0 : i32
    %dma_wait3A_469 = arith.constant 0 : i32
    %dma_wait3A_470 = tpu.memref_slice %arg6[%dma_wait3A_459, %dma_wait3A_468, %dma_wait3A_469] : memref<6x16x1024xf32, #tpu.memory_space<vmem>> -> memref<1x16x1024xf32, #tpu.memory_space<vmem>>
    %dma_wait3A_471 = tpu.memref_squeeze %dma_wait3A_470 : memref<1x16x1024xf32, #tpu.memory_space<vmem>> -> memref<16x1024xf32, #tpu.memory_space<vmem>>
    tpu.wait_dma2 semaphore(%arg15 : memref<!tpu.dma_semaphore, #tpu.memory_space<semaphore_mem>>) src(%dma_wait3A_471 : memref<16x1024xf32, #tpu.memory_space<vmem>>) dst(%dma_wait3A_467 : memref<16x1024xf32, #tpu.memory_space<hbm>>)
    %dma_wait3A_472 = arith.constant 3 : i32
    %dma_wait3A_473 = arith.constant 0 : i32
    %dma_wait3A_474 = arith.constant 0 : i32
    %dma_wait3A_475 = tpu.memref_slice %arg6[%dma_wait3A_472, %dma_wait3A_473, %dma_wait3A_474] : memref<6x16x1024xf32, #tpu.memory_space<vmem>> -> memref<1x16x1024xf32, #tpu.memory_space<vmem>>
    %dma_wait3A_476 = tpu.memref_squeeze %dma_wait3A_475 : memref<1x16x1024xf32, #tpu.memory_space<vmem>> -> memref<16x1024xf32, #tpu.memory_space<vmem>>
    %dma_wait3A_477 = arith.constant 0 : i32
    %dma_wait3A_478 = tpu.memref_slice %arg4[%mul3A_2, %dma_wait3A_477] : memref<32768x1024xf32, #tpu.memory_space<hbm>> -> memref<16x1024xf32, #tpu.memory_space<hbm>>
    %dma_wait3A_479 = arith.constant 0 : i32
    %dma_wait3A_480 = tpu.memref_slice %arg4[%mul3A_2, %dma_wait3A_479] : memref<32768x1024xf32, #tpu.memory_space<hbm>> -> memref<16x1024xf32, #tpu.memory_space<hbm>>
    %dma_wait3A_481 = arith.constant 0 : i32
    %dma_wait3A_482 = arith.constant 0 : i32
    %dma_wait3A_483 = tpu.memref_slice %arg6[%dma_wait3A_472, %dma_wait3A_481, %dma_wait3A_482] : memref<6x16x1024xf32, #tpu.memory_space<vmem>> -> memref<1x16x1024xf32, #tpu.memory_space<vmem>>
    %dma_wait3A_484 = tpu.memref_squeeze %dma_wait3A_483 : memref<1x16x1024xf32, #tpu.memory_space<vmem>> -> memref<16x1024xf32, #tpu.memory_space<vmem>>
    tpu.wait_dma2 semaphore(%arg16 : memref<!tpu.dma_semaphore, #tpu.memory_space<semaphore_mem>>) src(%dma_wait3A_484 : memref<16x1024xf32, #tpu.memory_space<vmem>>) dst(%dma_wait3A_480 : memref<16x1024xf32, #tpu.memory_space<hbm>>)
    return
  }
}

</mosaic_0001>

<sc_bundles>
// kernel: kernel.3.cloned.1.call-start
scs
__scs_entry_jumppad:
0x0: {  	(pc) =	sbr.rel $0x88, $3  }
0x1: {  	(tag) =	ssettag $0x0;
	lr =	simm.s32 $0x1  }
0x2: {  	[smem:$0x3F9F] =	sst lr;
	_ =	strace $0xD0000000  }
0x3: {  	_ = 	snop  }
0x4: {  	_ = 	snop  }
0x5: {  	_ = 	snop  }
0x6: {  	_ = 	snop  }
0x7: {  	_ = 	snop  }
__scs_overlays_trampoline_lowered:
0x8: {  	[smem:$0x3FAE] =	sst s0  }
0x9: {  	[smem:$0x3FAF] =	sst s1  }
0xa: {  	[smem:$0x3FB0] =	sst s2  }
0xb: {  	[smem:$0x3FB1] =	sst s3  }
0xc: {  	[smem:$0x3FB2] =	sst s4  }
0xd: {  	[smem:$0x3FB3] =	sst s5  }
0xe: {  	[smem:$0x3FB4] =	sst s6  }
0xf: {  	[smem:$0x3FB5] =	sst s7  }
0x10: {  	[smem:$0x3FB6] =	sst s8  }
0x11: {  	[smem:$0x3FB7] =	sst s9;
	s0 =	simm.s32 @!p0 $0x0  }
0x12: {  	s1 =	sld [smem:$0x3F9D];
	s0 =	simm.s32 @p0 $0x1  }
0x13: {  	[smem:$0x3FB8] =	sst s0;
	s0 =	simm.s32 @!p1 $0x0  }
0x14: {  	s2 =	sld [smem:$0x3F9C];
	s0 =	simm.s32 @p1 $0x1  }
0x15: {  	[smem:$0x3FB9] =	sst s0;
	s0 =	simm.s32 @!p2 $0x0  }
0x16: {  	s3 =	sld [smem:$0x3FDB];
	s0 =	simm.s32 @p2 $0x1  }
0x17: {  	s4 =	simm.s32 $0x1BF5;
	[smem:$0x3FBB] =	sst s0  }
0x18: {  	s0 =	sld [smem:$0x3F9E];
	_ =	swait.ge [sflag:s4], $0x0  }
0x19: {  	s7 =	sld [smem:$0x3F9F]  }
0x1a: {  	s8 =	sadd.s32 $0xFFFFE003, lr  }
0x1b: {  	s9 =	sadd.s32 $0xFFFFFEF7, lr;
	s5 =	simm.s32 $0xFFFFFFFF;
	p2 =	slt.u32 s8, $0xFFFFF086  }
0x1c: {  	p1 =	slt.u32 s9, $0xF7A;
	s5 =	simm.s32 @!p2 $0x0  }
0x1d: {  	s5 =	simm.s32 @p1 $0x1;
	p0 =	seq.s32 s7, s2  }
0x1e: {  	s7 =	smul.u32 @!p0 $0xF7A, s2;
	p2 =	seq.s32 @!p0 s5, $0x0  }
0x1f: {  	s9 =	smul.u32 $0xF7A, s1;
	s8 =	simm.s32 @!p0 $0x1BF5;
	p2 =	por !p2, p0  }
0x20: {  	[sflag:s8] =	ssyncset.s32 @!p0 $0xFFFFF086;
	s6 =	sadd.s32 @!p0 s3, s7;
	s7 =	simm.s32 @!p0 $0x108  }
0x21: {  	s3 =	sadd.s32 s3, s9;
	s6 =	sadd.s32 @!p0 $0x88, s6;
	s7 =	simm.s32 @p2 $0x1082  }
0x22: {  	[simem:s7], [sflag:s8] =	dma.local @!p0 [hbm:s6], $0xF7A  }
0x23: {  	s9 =	sor.u32 $0xD0000000, s2;
	s6 =	simm.s32 $0x108;
	_ =	swait.ge @!p0 [sflag:s8], $0x0  }
0x24: {  	s3 =	sadd.s32 $0x88, s3;
	s6 =	simm.s32 @!p1 $0x1082;
	[sflag:s4] =	ssyncset.s32 $0xFFFFF086  }
0x25: {  	[simem:s6], [sflag:s4] =	dma.local [hbm:s3], $0xF7A  }
0x26: {  	[smem:$0x3F9F] =	sst s1;
	(tag) =	ssettag s2;
	_ =	strace s9  }
0x27: {  	s1 =	sld [smem:$0x3FAF]  }
0x28: {  	s2 =	sld [smem:$0x3FB0]  }
0x29: {  	s4 =	sld [smem:$0x3FB2]  }
0x2a: {  	p0 =	seq.s32 s5, $0x0;
	s5 =	sld [smem:$0x3FB3]  }
0x2b: {  	s6 =	sld [smem:$0x3FB4]  }
0x2c: {  	s7 =	sld [smem:$0x3FB5]  }
0x2d: {  	s3 =	simm.s32 $0x108;
	s8 =	sld [smem:$0x3FB6]  }
0x2e: {  	s3 =	simm.s32 @!p0 $0x1082;
	s9 =	sld [smem:$0x3FB7]  }
0x2f: {  	lr =	sadd.s32 s0, s3;
	s0 =	sld [smem:$0x3FAE]  }
0x30: {  	s3 =	sld [smem:$0x3FB1]  }
0x31: {  	[smem:$0x3FBA] =	sst s10  }
0x32: {  	s10 =	sld [smem:$0x3FB8];
	_ =	sdelay $0x3  }
0x33: {  	p0 =	seq.s32 s10, $0x1;
	s10 =	sld [smem:$0x3FBA];
	_ =	sdelay $0x3  }
0x34: {  	[smem:$0x3FBA] =	sst s10  }
0x35: {  	s10 =	sld [smem:$0x3FB9];
	_ =	sdelay $0x3  }
0x36: {  	p1 =	seq.s32 s10, $0x1;
	s10 =	sld [smem:$0x3FBA];
	_ =	sdelay $0x3  }
0x37: {  	[smem:$0x3FBA] =	sst s10  }
0x38: {  	s10 =	sld [smem:$0x3FBB]  }
0x39: {  	_ = 	snop;
	(pc) =	sbr.ind lr, $3  }
0x3a: {  	_ = 	snop  }
0x3b: {  	_ = 	snop  }
0x3c: {  	p2 =	seq.s32 s10, $0x1;
	s10 =	sld [smem:$0x3FBA]  }
0x3d: {  	_ =	shalt  }
0x3e: {  	_ =	shalt  }
0x3f: {  	_ =	shalt  }
0x40: {  	_ =	shalt  }
0x41: {  	_ =	shalt  }
0x42: {  	_ =	shalt  }
0x43: {  	_ =	shalt  }
0x44: {  	_ =	shalt  }
0x45: {  	_ =	shalt  }
0x46: {  	_ =	shalt  }
0x47: {  	_ =	shalt  }
0x48: {  	_ =	shalt  }
0x49: {  	_ =	shalt  }
0x4a: {  	_ =	shalt  }
0x4b: {  	_ =	shalt  }
0x4c: {  	_ =	shalt  }
0x4d: {  	_ =	shalt  }
0x4e: {  	_ =	shalt  }
0x4f: {  	_ =	shalt  }
0x50: {  	_ =	shalt  }
0x51: {  	_ =	shalt  }
0x52: {  	_ =	shalt  }
0x53: {  	_ =	shalt  }
0x54: {  	_ =	shalt  }
0x55: {  	_ =	shalt  }
0x56: {  	_ =	shalt  }
0x57: {  	_ =	shalt  }
0x58: {  	_ =	shalt  }
0x59: {  	_ =	shalt  }
0x5a: {  	_ =	shalt  }
0x5b: {  	_ =	shalt  }
0x5c: {  	_ =	shalt  }
0x5d: {  	_ =	shalt  }
0x5e: {  	_ =	shalt  }
0x5f: {  	_ =	shalt  }
0x60: {  	_ =	shalt  }
0x61: {  	_ =	shalt  }
0x62: {  	_ =	shalt  }
0x63: {  	_ =	shalt  }
0x64: {  	_ =	shalt  }
0x65: {  	_ =	shalt  }
0x66: {  	_ =	shalt  }
0x67: {  	_ =	shalt  }
0x68: {  	_ =	shalt  }
0x69: {  	_ =	shalt  }
0x6a: {  	_ =	shalt  }
0x6b: {  	_ =	shalt  }
0x6c: {  	_ =	shalt  }
0x6d: {  	_ =	shalt  }
0x6e: {  	_ =	shalt  }
0x6f: {  	_ =	shalt  }
0x70: {  	_ =	shalt  }
0x71: {  	_ =	shalt  }
0x72: {  	_ =	shalt  }
0x73: {  	_ =	shalt  }
0x74: {  	_ =	shalt  }
0x75: {  	_ =	shalt  }
0x76: {  	_ =	shalt  }
0x77: {  	_ =	shalt  }
0x78: {  	_ =	shalt  }
0x79: {  	_ =	shalt  }
0x7a: {  	_ =	shalt  }
0x7b: {  	_ =	shalt  }
0x7c: {  	_ =	shalt  }
0x7d: {  	_ =	shalt  }
0x7e: {  	_ =	shalt  }
0x7f: {  	_ =	shalt  }
0x80: {  	_ =	shalt  }
0x81: {  	_ =	shalt  }
0x82: {  	_ =	shalt  }
0x83: {  	_ =	shalt  }
0x84: {  	_ =	shalt  }
0x85: {  	_ =	shalt  }
0x86: {  	_ =	shalt  }
0x87: {  	_ =	shalt  }
.Lfunc_end0:
.L_simem_size_0:
called_computation_lowered:
.L_overlay_start_0:
0x88: {  	s2 =	sld [smem:$0x3FD9]  }
0x89: {  	s3 =	sld [smem:$0x3FFE];
	_ =	sdelay $0x1  }
0x8a: {  	s1 =	srdreg.scid  }
0x8b: {  	s0 =	sand.u32 $0x1, s1  }
0x8c: {  	s17 =	sshll.u32 s0, $0xA;
	s2 =	sadd.s32 s3, s2  }
0x8d: {  	s2 =	sadd.s32 s2, s17  }
0x8e: {  	[smem:$0x3FC6] =	sst s2  }
0x8f: {  	_ = 	snop  }
0x90: {  	s2 =	sld [smem:$0x3FC8]  }
0x91: {  	s18 =	sld [smem:$0x3FD0];
	(tm) =	ssettm $0x1  }
0x92: {  	s4 =	sld [smem:$0x3FFB];
	_ =	sdelay $0x3  }
0x93: {  	_ =	strace s4  }
0x94: {  	s4 =	sld [smem:$0x3FFC];
	_ =	sdelay $0x3  }
0x95: {  	_ =	strace s4  }
0x96: {  	s4 =	sld [smem:$0x3FFD];
	_ =	sdelay $0x3  }
0x97: {  	_ =	strace s4  }
0x98: {  	_ =	strace $0x8FFFFFFF  }
0x99: {  	s19 =	sld [smem:$0x3FDB];
	_ =	sdelay $0x1  }
0x9a: {  	s5 =	simm.s32 $_scs_section_size  }
0x9b: {  	s6 =	simm.s32 $_size__tile_overlayer_lowered;
	s7 =	simm.s32 $_tile_overlayer_lowered  }
0x9c: {  	s22 =	simm.s32 $0x1BFF;
	s21 =	sshll.u32 s7, $0x1;
	s4 =	sadd.s32 s5, s19  }
0x9d: {  	s8 =	simm.s32 $0x0;
	s20 =	sshll.u32 s6, $0x1;
	s6 =	sadd.s32 s21, s4  }
0x9e: {  	[timem:s8], [sflag:s22] =	dma.local [hbm:s6], s20  }
0x9f: {  	_ =	swait.ge [sflag:s22], s20  }
0xa0: {  	s5 =	ssub.s32 $0x0, s20;
	[sflag:s22] =	ssyncset.done $0x0  }
0xa1: {  	[sflag:s22] =	ssyncadd.s32 s5;
	_ =	sdelay $0x1  }
0xa2: {  	s23 =	simm.s32 $0x1B8B  }
0xa3: {  	_ =	swait.ge [sflag:s23], $0x1  }
0xa4: {  	[sflag:s23] =	ssyncset.done $0x0  }
0xa5: {  	s25 =	simm.s32 $0x1B8E;
	s24 =	sld [smem:$0x3FFE];
	[sflag:s23] =	ssyncadd.s32 $0xFFFFFFFF  }
0xa6: {  	s26 =	simm.s32 $execute0_lowered;
	[smem:$0x3FD2] =	sst s25  }
0xa7: {  	s6 =	sshll.u32 s26, $0x1;
	_ =	strace $0x80000046;
	[dreg:$0x1] =	wrdreg $0xFFFFFFFF  }
0xa8: {  	s28 =	simm.s32 $_size_execute0_lowered;
	s4 =	sadd.s32 s4, s6;
	[dreg:$0x0] =	wrdreg $0x0  }
0xa9: {  	s6 =	sshll.u32 s28, $0x1;
	[dreg:$0x2] =	wrdreg s4  }
0xaa: {  	[dreg:$0x3] =	wrdreg s6  }
0xab: {  	[dreg:$0x4] =	wrdreg $0xC0  }
0xac: {  	_ =	task [dreg:s8], $0x5FFFF  }
0xad: {  	[dreg:$0x1] =	wrdreg $0xFFFFFFFF  }
0xae: {  	[dreg:$0x0] =	wrdreg $0x60  }
0xaf: {  	[dreg:$0x2] =	wrdreg s24  }
0xb0: {  	[dreg:$0x3] =	wrdreg s2  }
0xb1: {  	[dreg:$0x4] =	wrdreg s18  }
0xb2: {  	[dreg:$0x5] =	wrdreg $0x9  }
0xb3: {  	_ =	task.clear_ibuf [dreg:s8], $0x6FFFF;
	_ =	strace $0x90000046  }
0xb4: {  	s29 =	simm.s32 $0x9;
	_ =	strace $0x80000048  }
0xb5: {  	_ =	swait.ge [sflag:s29], $0x1  }
0xb6: {  	[sflag:s29] =	ssyncadd.s32 $0xFFFFFFFF  }
0xb7: {  	_ =	strace $0x90000048  }
0xb8: {  	_ =	sfence  }
0xb9: {  	s30 =	sld [smem:$0x0];
	_ =	sdelay $0x2  }
0xba: {  	s31 =	sshll.u32 s1, $0xD;
	s1 =	sshrl.u32 s1, $0x2  }
0xbb: {  	s3 =	sand.u32 $0x4000, s31;
	s1 =	sadd.s32 s1, s30  }
0xbc: {  	s0 =	sor.u32 s3, s0;
	s1 =	sshll.u32 s1, $0x11  }
0xbd: {  	s0 =	sor.u32 s1, s0  }
0xbe: {  	s0 =	sadd.s32 $0x8F2B, s0  }
0xbf: {  	[sflag:s0] =	ssyncadd.remote.s32 $0x1  }
0xc0: {  	_ =	sfence.sel $0xFFFF  }
0xc1: {  	[dreg:$0x0] =	wrdreg $0xFFFFFFFF;
	(pc) =	sbr.abs _section_cstart, $3  }
0xc2: {  	[dreg:$0x1] =	wrdreg $0xFFFFFFFF  }
0xc3: {  	_ =	task.clear_ibuf [dreg:s8], $0x2FFFF;
	_ =	strace $0x9FFFFFFF  }
0xc4: {  	(tm) =	ssettm $0x7FFFFFFF  }
0xc5: {  	_ =	shalt  }
tec
execute0_lowered:
.L_overlay_start_1:
0x0: {  	(tag) =	ssettag $0x1  }
0x1: {  	s0 =	rddreg [dreg:$0x0];
	s1 =	srdreg.scid  }
0x2: {  	s2 =	rddreg [dreg:$0x1];
	s9 =	stileid.u32  }
0x3: {  	s4 =	rddreg [dreg:$0x2];
	s3 =	simm.s32 $0x0;
	s30 =	simm.s32 $0x2  }
0x4: {  	s29 =	simm.s32 $0x10400;
	s28 =	simm.s32 $0x13C00;
	s14 =	simm.s32 $0x3  }
0x5: {  	s31 =	simm.s32 $0x14400;
	s12 =	simm.s32 $0x5;
	s1 =	sand.u32 $0x1, s1  }
0x6: {  	s13 =	simm.s32 $0x6;
	s5 =	sshll.u32 s9, $0xB;
	s6 =	sshll.u32 s1, $0xA  }
0x7: {  	[smem:$0x7FF] =	sst s3;
	s7 =	ssub.s32 $0x2, s1;
	s5 =	sor.u32 s6, s5  }
0x8: {  	_ =	strace $0x80000047;
	s15 =	sshrl.u32 s7, $0x1;
	s16 =	sshll.u32 s5, $0x7  }
0x9: {  	s6 =	sshrl.u32 s5, $0x3;
	s7 =	ssub.s32 s7, s15;
	s10 =	sadd.s32 s4, s16  }
0xa: {  	s0 =	sadd.s32 s6, s0;
	s26 =	smax.u32 s7, $0x1;
	[dreg:$0x6] =	wrdreg s10  }
0xb: {  	s11 =	simm.s32 $0x0;
	s0 =	sadd.s32 $0x400, s0;
	[dreg:$0x10] =	wrdreg s26  }
0xc: {  	s8 =	sadd.s32 $0x300, s2;
	s17 =	sadd.s32 $0x1000, s10;
	[dreg:$0x5] =	wrdreg s0  }
0xd: {  	s23 =	sshll.u32 s9, $0x12;
	s18 =	sadd.s32 $0x1C800, s10;
	[dreg:$0x8] =	wrdreg s17  }
0xe: {  	s9 =	simm.s32 $0x12400;
	s19 =	sadd.s32 $0x1D000, s10;
	[dreg:$0x9] =	wrdreg s18  }
0xf: {  	s1 =	sshll.u32 s1, $0x11;
	s20 =	sadd.s32 $0x1D800, s10;
	[dreg:$0xa] =	wrdreg s19  }
0x10: {  	s5 =	sadd.s32 $0x100, s2;
	s21 =	sadd.s32 $0x1E000, s10;
	[dreg:$0xb] =	wrdreg s20  }
0x11: {  	s15 =	simm.s32 $0x13400;
	s22 =	sadd.s32 $0x1E800, s10;
	[dreg:$0xc] =	wrdreg s21  }
0x12: {  	s6 =	sadd.s32 $0x200, s2;
	s24 =	sadd.s32 $0x1F000, s10;
	[dreg:$0xd] =	wrdreg s22  }
0x13: {  	s7 =	simm.s32 $0x1;
	s25 =	sadd.s32 $0x1F800, s10;
	[dreg:$0xe] =	wrdreg s24  }
0x14: {  	s16 =	simm.s32 $0x10C00;
	s0 =	sadd.s32 $0x800, s10;
	[dreg:$0xf] =	wrdreg s25  }
0x15: {  	s19 =	simm.s32 $0xC400;
	s17 =	simm.s32 $0x11C00;
	s18 =	simm.s32 $0x12C00  }
0x16: {  	s10 =	simm.s32 $0x4;
	s21 =	simm.s32 $0x7;
	s22 =	simm.s32 $0x8  }
0x17: {  	v2 =	vlaneseq.u32;
	s24 =	simm.s32 $0xA;
	[dreg:$0x7] =	wrdreg s0;
	s0 =	sadd.s32 s23, s4  }
0x18: {  	vm0 =	vmmov $0xffff;
	v1 =	vshrl.u32 v2, $0x3;
	s25 =	simm.s32 $0xB;
	s4 =	simm.s32 $0x11400;
	s0 =	sadd.s32 s1, s0  }
0x19: {  	v0 =	vand.u32 $0x7, v2;
	v2 =	vor.u32 $0x8, v2;
	v1 =	vmul.u32 $0x8, v1;
	s23 =	simm.s32 $0x9;
	s1 =	simm.s32 $0xC;
	[dreg:$0x4] =	wrdreg s0  }
.LBB2_1:
0x1a: {  	[dreg:$0x11] =	wrdreg s11  }
0x1b: {  	s0 =	rddreg [dreg:$0x5];
	s26 =	simm.s32 $0xD  }
0x1c: {  	[tilespmem:s3], [sflag:$0xD] =	stream.linear.gather [hbm4b:s0+s3], $0x400, $0x38;
	[tilespmem:$0x18400] =	vst v63  }
0x1d: {  	_ =	swait.ge [sflag:s26], $0x400  }
0x1e: {  	[sflag:s26] =	ssyncset.done $0x0  }
0x1f: {  	[sflag:s26] =	ssyncadd.s32 $0xFFFFFC00  }
0x20: {  	v3 =	vld [tilespmem:$0x0];
	_ =	sdelay $0x4  }
0x21: {  	v4 =	vshll.u32 v3, $0x3  }
0x22: {  	v3 =	vand.u32 $0x7, v3;
	v4 =	vand.u32 $0xFFFFFFC0, v4  }
0x23: {  	v3 =	vor.u32 v3, v4  }
0x24: {  	v4 =	vperm.xlane v3, v0;
	_ =	sdelay $0x1  }
0x25: {  	v4 =	vadd.s32 v1, v4;
	_ =	sdelay $0x3  }
0x26: {  	s20 =	simm.s32 $0x400  }
0x27: {  	[tilespmem:s20], [sflag:$0x1] =	stream.indirect_vreg.gather [hbm4b:s2+s3], $0x80, v4, vm0, $0xb8;
	[tilespmem:$0x18400] =	vst v63  }
0x28: {  	s11 =	simm.s32 $0xC00;
	v3 =	vperm.xlane v3, v2  }
0x29: {  	[tilespmem:s11], [sflag:$0x1] =	stream.indirect_vreg.gather [hbm4b:s5+s3], $0x80, v4, vm0, $0xb8;
	[tilespmem:$0x18400] =	vst v63  }
0x2a: {  	s26 =	simm.s32 $0x1400;
	v3 =	vadd.s32 v1, v3  }
0x2b: {  	[tilespmem:s26], [sflag:$0x1] =	stream.indirect_vreg.gather [hbm4b:s6+s3], $0x80, v4, vm0, $0xb8;
	[tilespmem:$0x18400] =	vst v63  }
0x2c: {  	s11 =	simm.s32 $0x1C00  }
0x2d: {  	[tilespmem:s11], [sflag:$0x1] =	stream.indirect_vreg.gather [hbm4b:s8+s3], $0x80, v4, vm0, $0xb8;
	[tilespmem:$0x18400] =	vst v63  }
0x2e: {  	s26 =	simm.s32 $0x2400  }
0x2f: {  	[tilespmem:s26], [sflag:$0x1] =	stream.indirect_vreg.gather [hbm4b:s2+s3], $0x80, v3, vm0, $0xb8;
	[tilespmem:$0x18400] =	vst v63  }
0x30: {  	s11 =	simm.s32 $0x2C00  }
0x31: {  	[tilespmem:s11], [sflag:$0x1] =	stream.indirect_vreg.gather [hbm4b:s5+s3], $0x80, v3, vm0, $0xb8;
	[tilespmem:$0x18400] =	vst v63  }
0x32: {  	s26 =	simm.s32 $0x3400  }
0x33: {  	[tilespmem:s26], [sflag:$0x1] =	stream.indirect_vreg.gather [hbm4b:s6+s3], $0x80, v3, vm0, $0xb8;
	[tilespmem:$0x18400] =	vst v63  }
0x34: {  	s11 =	simm.s32 $0x3C00  }
0x35: {  	[tilespmem:s11], [sflag:$0x1] =	stream.indirect_vreg.gather [hbm4b:s8+s3], $0x80, v3, vm0, $0xb8;
	[tilespmem:$0x18400] =	vst v63  }
0x36: {  	v3 =	vld [tilespmem:$0x10];
	_ =	sdelay $0x4  }
0x37: {  	v59 =	vshll.u32 v3, $0x3  }
0x38: {  	v3 =	vand.u32 $0x7, v3;
	v4 =	vand.u32 $0xFFFFFFC0, v59  }
0x39: {  	v3 =	vor.u32 v3, v4  }
0x3a: {  	v4 =	vperm.xlane v3, v0;
	_ =	sdelay $0x1  }
0x3b: {  	v4 =	vadd.s32 v1, v4;
	_ =	sdelay $0x3  }
0x3c: {  	s11 =	simm.s32 $0x4400  }
0x3d: {  	[tilespmem:s11], [sflag:$0x2] =	stream.indirect_vreg.gather [hbm4b:s2+s3], $0x80, v4, vm0, $0xb8;
	[tilespmem:$0x18400] =	vst v63  }
0x3e: {  	s26 =	simm.s32 $0x4C00;
	v3 =	vperm.xlane v3, v2  }
0x3f: {  	[tilespmem:s26], [sflag:$0x2] =	stream.indirect_vreg.gather [hbm4b:s5+s3], $0x80, v4, vm0, $0xb8;
	[tilespmem:$0x18400] =	vst v63  }
0x40: {  	v3 =	vadd.s32 v1, v3;
	s26 =	simm.s32 $0x5400  }
0x41: {  	[tilespmem:s26], [sflag:$0x2] =	stream.indirect_vreg.gather [hbm4b:s6+s3], $0x80, v4, vm0, $0xb8;
	[tilespmem:$0x18400] =	vst v63  }
0x42: {  	s26 =	simm.s32 $0x5C00  }
0x43: {  	[tilespmem:s26], [sflag:$0x2] =	stream.indirect_vreg.gather [hbm4b:s8+s3], $0x80, v4, vm0, $0xb8;
	[tilespmem:$0x18400] =	vst v63  }
0x44: {  	s26 =	simm.s32 $0x6400  }
0x45: {  	[tilespmem:s26], [sflag:$0x2] =	stream.indirect_vreg.gather [hbm4b:s2+s3], $0x80, v3, vm0, $0xb8;
	[tilespmem:$0x18400] =	vst v63  }
0x46: {  	s26 =	simm.s32 $0x6C00  }
0x47: {  	[tilespmem:s26], [sflag:$0x2] =	stream.indirect_vreg.gather [hbm4b:s5+s3], $0x80, v3, vm0, $0xb8;
	[tilespmem:$0x18400] =	vst v63  }
0x48: {  	s26 =	simm.s32 $0x7400  }
0x49: {  	[tilespmem:s26], [sflag:$0x2] =	stream.indirect_vreg.gather [hbm4b:s6+s3], $0x80, v3, vm0, $0xb8;
	[tilespmem:$0x18400] =	vst v63  }
0x4a: {  	s26 =	simm.s32 $0x7C00  }
0x4b: {  	[tilespmem:s26], [sflag:$0x2] =	stream.indirect_vreg.gather [hbm4b:s8+s3], $0x80, v3, vm0, $0xb8;
	[tilespmem:$0x18400] =	vst v63  }
0x4c: {  	v3 =	vld [tilespmem:$0x20];
	_ =	sdelay $0x4  }
0x4d: {  	v60 =	vshll.u32 v3, $0x3  }
0x4e: {  	v3 =	vand.u32 $0x7, v3;
	v4 =	vand.u32 $0xFFFFFFC0, v60  }
0x4f: {  	v3 =	vor.u32 v3, v4  }
0x50: {  	v4 =	vperm.xlane v3, v0;
	_ =	sdelay $0x1  }
0x51: {  	v4 =	vadd.s32 v1, v4;
	_ =	sdelay $0x3  }
0x52: {  	s26 =	simm.s32 $0x8400  }
0x53: {  	[tilespmem:s26], [sflag:$0x3] =	stream.indirect_vreg.gather [hbm4b:s2+s3], $0x80, v4, vm0, $0xb8;
	[tilespmem:$0x18400] =	vst v63  }
0x54: {  	s0 =	simm.s32 $0x8C00;
	v3 =	vperm.xlane v3, v2  }
0x55: {  	[tilespmem:s0], [sflag:$0x3] =	stream.indirect_vreg.gather [hbm4b:s5+s3], $0x80, v4, vm0, $0xb8;
	[tilespmem:$0x18400] =	vst v63  }
0x56: {  	v3 =	vadd.s32 v1, v3;
	s0 =	simm.s32 $0x9400  }
0x57: {  	[tilespmem:s0], [sflag:$0x3] =	stream.indirect_vreg.gather [hbm4b:s6+s3], $0x80, v4, vm0, $0xb8;
	[tilespmem:$0x18400] =	vst v63  }
0x58: {  	s0 =	simm.s32 $0x9C00  }
0x59: {  	[tilespmem:s0], [sflag:$0x3] =	stream.indirect_vreg.gather [hbm4b:s8+s3], $0x80, v4, vm0, $0xb8;
	[tilespmem:$0x18400] =	vst v63  }
0x5a: {  	s0 =	simm.s32 $0xA400  }
0x5b: {  	[tilespmem:s0], [sflag:$0x3] =	stream.indirect_vreg.gather [hbm4b:s2+s3], $0x80, v3, vm0, $0xb8;
	[tilespmem:$0x18400] =	vst v63  }
0x5c: {  	s0 =	simm.s32 $0xAC00  }
0x5d: {  	[tilespmem:s0], [sflag:$0x3] =	stream.indirect_vreg.gather [hbm4b:s5+s3], $0x80, v3, vm0, $0xb8;
	[tilespmem:$0x18400] =	vst v63  }
0x5e: {  	s0 =	simm.s32 $0xB400  }
0x5f: {  	[tilespmem:s0], [sflag:$0x3] =	stream.indirect_vreg.gather [hbm4b:s6+s3], $0x80, v3, vm0, $0xb8;
	[tilespmem:$0x18400] =	vst v63  }
0x60: {  	s0 =	simm.s32 $0xBC00  }
0x61: {  	[tilespmem:s0], [sflag:$0x3] =	stream.indirect_vreg.gather [hbm4b:s8+s3], $0x80, v3, vm0, $0xb8;
	[tilespmem:$0x18400] =	vst v63  }
0x62: {  	_ =	swait.ge [sflag:s7], $0x4000  }
0x63: {  	[sflag:s7] =	ssyncset.done $0x0  }
0x64: {  	s0 =	rddreg [dreg:$0x6];
	[sflag:s7] =	ssyncadd.s32 $0xFFFFC000  }
0x65: {  	[hbm4b:s0+s3] =	stream.linear.scatter [tilespmem:s20], [sflag:$0x7], $0x4000, $0x38;
	[tilespmem:$0x18400] =	vst v63  }
0x66: {  	v3 =	vld [tilespmem:$0x30];
	_ =	sdelay $0x4  }
0x67: {  	v61 =	vshll.u32 v3, $0x3  }
0x68: {  	v3 =	vand.u32 $0x7, v3;
	v4 =	vand.u32 $0xFFFFFFC0, v61  }
0x69: {  	v3 =	vor.u32 v3, v4  }
0x6a: {  	v4 =	vperm.xlane v3, v0;
	_ =	sdelay $0x1  }
0x6b: {  	v4 =	vadd.s32 v1, v4;
	_ =	sdelay $0x4  }
0x6c: {  	[tilespmem:s19], [sflag:$0x4] =	stream.indirect_vreg.gather [hbm4b:s2+s3], $0x80, v4, vm0, $0xb8;
	[tilespmem:$0x18400] =	vst v63  }
0x6d: {  	s20 =	simm.s32 $0xCC00;
	v3 =	vperm.xlane v3, v2  }
0x6e: {  	[tilespmem:s20], [sflag:$0x4] =	stream.indirect_vreg.gather [hbm4b:s5+s3], $0x80, v4, vm0, $0xb8;
	[tilespmem:$0x18400] =	vst v63  }
0x6f: {  	v3 =	vadd.s32 v1, v3;
	s19 =	simm.s32 $0xD400  }
0x70: {  	[tilespmem:s19], [sflag:$0x4] =	stream.indirect_vreg.gather [hbm4b:s6+s3], $0x80, v4, vm0, $0xb8;
	[tilespmem:$0x18400] =	vst v63  }
0x71: {  	s20 =	simm.s32 $0xDC00  }
0x72: {  	[tilespmem:s20], [sflag:$0x4] =	stream.indirect_vreg.gather [hbm4b:s8+s3], $0x80, v4, vm0, $0xb8;
	[tilespmem:$0x18400] =	vst v63  }
0x73: {  	s19 =	simm.s32 $0xE400  }
0x74: {  	[tilespmem:s19], [sflag:$0x4] =	stream.indirect_vreg.gather [hbm4b:s2+s3], $0x80, v3, vm0, $0xb8;
	[tilespmem:$0x18400] =	vst v63  }
0x75: {  	s20 =	simm.s32 $0xEC00  }
0x76: {  	[tilespmem:s20], [sflag:$0x4] =	stream.indirect_vreg.gather [hbm4b:s5+s3], $0x80, v3, vm0, $0xb8;
	[tilespmem:$0x18400] =	vst v63  }
0x77: {  	s19 =	simm.s32 $0xF400  }
0x78: {  	[tilespmem:s19], [sflag:$0x4] =	stream.indirect_vreg.gather [hbm4b:s6+s3], $0x80, v3, vm0, $0xb8;
	[tilespmem:$0x18400] =	vst v63  }
0x79: {  	s20 =	simm.s32 $0xFC00  }
0x7a: {  	[tilespmem:s20], [sflag:$0x4] =	stream.indirect_vreg.gather [hbm4b:s8+s3], $0x80, v3, vm0, $0xb8;
	[tilespmem:$0x18400] =	vst v63  }
0x7b: {  	_ =	swait.ge [sflag:s30], $0x4000  }
0x7c: {  	[sflag:s30] =	ssyncset.done $0x0  }
0x7d: {  	s19 =	rddreg [dreg:$0x7];
	[sflag:s30] =	ssyncadd.s32 $0xFFFFC000  }
0x7e: {  	[hbm4b:s19+s3] =	stream.linear.scatter [tilespmem:s11], [sflag:$0x8], $0x4000, $0x38;
	[tilespmem:$0x18400] =	vst v63  }
0x7f: {  	v3 =	vld [tilespmem:$0x40];
	_ =	sdelay $0x4  }
0x80: {  	v62 =	vshll.u32 v3, $0x3  }
0x81: {  	v3 =	vand.u32 $0x7, v3;
	v4 =	vand.u32 $0xFFFFFFC0, v62  }
0x82: {  	v3 =	vor.u32 v3, v4  }
0x83: {  	v4 =	vperm.xlane v3, v0;
	_ =	sdelay $0x1  }
0x84: {  	v4 =	vadd.s32 v1, v4;
	_ =	sdelay $0x4  }
0x85: {  	[tilespmem:s29], [sflag:$0x5] =	stream.indirect_vreg.gather [hbm4b:s2+s3], $0x80, v4, vm0, $0xb8;
	[tilespmem:$0x18400] =	vst v63  }
0x86: {  	v3 =	vperm.xlane v3, v2  }
0x87: {  	[tilespmem:s16], [sflag:$0x5] =	stream.indirect_vreg.gather [hbm4b:s5+s3], $0x80, v4, vm0, $0xb8;
	[tilespmem:$0x18400] =	vst v63  }
0x88: {  	v3 =	vadd.s32 v1, v3  }
0x89: {  	[tilespmem:s4], [sflag:$0x5] =	stream.indirect_vreg.gather [hbm4b:s6+s3], $0x80, v4, vm0, $0xb8;
	[tilespmem:$0x18400] =	vst v63  }
0x8a: {  	_ = 	snop  }
0x8b: {  	[tilespmem:s17], [sflag:$0x5] =	stream.indirect_vreg.gather [hbm4b:s8+s3], $0x80, v4, vm0, $0xb8;
	[tilespmem:$0x18400] =	vst v63  }
0x8c: {  	_ = 	snop  }
0x8d: {  	[tilespmem:s9], [sflag:$0x5] =	stream.indirect_vreg.gather [hbm4b:s2+s3], $0x80, v3, vm0, $0xb8;
	[tilespmem:$0x18400] =	vst v63  }
0x8e: {  	_ = 	snop  }
0x8f: {  	[tilespmem:s18], [sflag:$0x5] =	stream.indirect_vreg.gather [hbm4b:s5+s3], $0x80, v3, vm0, $0xb8;
	[tilespmem:$0x18400] =	vst v63  }
0x90: {  	_ = 	snop  }
0x91: {  	[tilespmem:s15], [sflag:$0x5] =	stream.indirect_vreg.gather [hbm4b:s6+s3], $0x80, v3, vm0, $0xb8;
	[tilespmem:$0x18400] =	vst v63  }
0x92: {  	_ = 	snop  }
0x93: {  	[tilespmem:s28], [sflag:$0x5] =	stream.indirect_vreg.gather [hbm4b:s8+s3], $0x80, v3, vm0, $0xb8;
	[tilespmem:$0x18400] =	vst v63  }
0x94: {  	_ =	swait.ge [sflag:s14], $0x4000  }
0x95: {  	[sflag:s14] =	ssyncset.done $0x0  }
0x96: {  	s20 =	rddreg [dreg:$0x8];
	[sflag:s14] =	ssyncadd.s32 $0xFFFFC000  }
0x97: {  	[hbm4b:s20+s3] =	stream.linear.scatter [tilespmem:s26], [sflag:$0x9], $0x4000, $0x38;
	[tilespmem:$0x18400] =	vst v63  }
0x98: {  	v3 =	vld [tilespmem:$0x50];
	_ =	sdelay $0x4  }
0x99: {  	v63 =	vshll.u32 v3, $0x3  }
0x9a: {  	v3 =	vand.u32 $0x7, v3;
	v4 =	vand.u32 $0xFFFFFFC0, v63  }
0x9b: {  	v3 =	vor.u32 v3, v4  }
0x9c: {  	v4 =	vperm.xlane v3, v0;
	_ =	sdelay $0x1  }
0x9d: {  	v4 =	vadd.s32 v1, v4;
	_ =	sdelay $0x4  }
0x9e: {  	[tilespmem:s31], [sflag:$0x6] =	stream.indirect_vreg.gather [hbm4b:s2+s3], $0x80, v4, vm0, $0xb8;
	[tilespmem:$0x18400] =	vst v63  }
0x9f: {  	s26 =	simm.s32 $0x14C00;
	v3 =	vperm.xlane v3, v2  }
0xa0: {  	[tilespmem:s26], [sflag:$0x6] =	stream.indirect_vreg.gather [hbm4b:s5+s3], $0x80, v4, vm0, $0xb8;
	[tilespmem:$0x18400] =	vst v63  }
0xa1: {  	s28 =	simm.s32 $0x15400;
	v3 =	vadd.s32 v1, v3  }
0xa2: {  	[tilespmem:s28], [sflag:$0x6] =	stream.indirect_vreg.gather [hbm4b:s6+s3], $0x80, v4, vm0, $0xb8;
	[tilespmem:$0x18400] =	vst v63  }
0xa3: {  	s29 =	simm.s32 $0x15C00  }
0xa4: {  	[tilespmem:s29], [sflag:$0x6] =	stream.indirect_vreg.gather [hbm4b:s8+s3], $0x80, v4, vm0, $0xb8;
	[tilespmem:$0x18400] =	vst v63  }
0xa5: {  	s31 =	simm.s32 $0x16400  }
0xa6: {  	[tilespmem:s31], [sflag:$0x6] =	stream.indirect_vreg.gather [hbm4b:s2+s3], $0x80, v3, vm0, $0xb8;
	[tilespmem:$0x18400] =	vst v63  }
0xa7: {  	s18 =	simm.s32 $0x16C00  }
0xa8: {  	[tilespmem:s18], [sflag:$0x6] =	stream.indirect_vreg.gather [hbm4b:s5+s3], $0x80, v3, vm0, $0xb8;
	[tilespmem:$0x18400] =	vst v63  }
0xa9: {  	s16 =	simm.s32 $0x0;
	s20 =	simm.s32 $0x17400  }
0xaa: {  	[tilespmem:s20], [sflag:$0x6] =	stream.indirect_vreg.gather [hbm4b:s6+s3], $0x80, v3, vm0, $0xb8;
	[tilespmem:$0x18400] =	vst v63  }
0xab: {  	s4 =	simm.s32 $0x13C00;
	s17 =	simm.s32 $0x17C00;
	s26 =	simm.s32 $0xB0  }
0xac: {  	[tilespmem:s17], [sflag:$0x6] =	stream.indirect_vreg.gather [hbm4b:s8+s3], $0x80, v3, vm0, $0xb8;
	[tilespmem:$0x18400] =	vst v63  }
.LBB2_2:
0xad: {  	_ =	swait.ge [sflag:s10], $0x4000  }
0xae: {  	s28 =	rddreg [dreg:$0x4]  }
0xaf: {  	[sflag:s10] =	ssyncset.done $0x0;
	s28 =	sadd.s32 s16, s28  }
0xb0: {  	s15 =	simm.s32 $0xC400;
	[sflag:s10] =	ssyncadd.s32 $0xFFFFC000;
	s0 =	sadd.s32 $0x1800, s28  }
0xb1: {  	[hbm4b:s0+s3] =	stream.linear.scatter [tilespmem:s15], [sflag:$0xA], $0x4000, $0x38;
	[tilespmem:$0x18400] =	vst v63  }
0xb2: {  	_ =	swait.ge [sflag:s21], $0x4000  }
0xb3: {  	[sflag:s21] =	ssyncset.done $0x0  }
0xb4: {  	[sflag:s21] =	ssyncadd.s32 $0xFFFFC000  }
0xb5: {  	v3 =	vld [tilespmem:s26+$0xFFFFFFB0];
	_ =	sdelay $0x4  }
0xb6: {  	v4 =	vshll.u32 v3, $0x3  }
0xb7: {  	v3 =	vand.u32 $0x7, v3;
	v4 =	vand.u32 $0xFFFFFFC0, v4  }
0xb8: {  	v3 =	vor.u32 v3, v4  }
0xb9: {  	v4 =	vperm.xlane v3, v0;
	_ =	sdelay $0x1  }
0xba: {  	v4 =	vadd.s32 v1, v4;
	_ =	sdelay $0x3  }
0xbb: {  	s29 =	simm.s32 $0x400  }
0xbc: {  	[tilespmem:s29], [sflag:$0x1] =	stream.indirect_vreg.gather [hbm4b:s2+s3], $0x80, v4, vm0, $0xb8;
	[tilespmem:$0x18400] =	vst v63  }
0xbd: {  	s9 =	simm.s32 $0xC00;
	v3 =	vperm.xlane v3, v2  }
0xbe: {  	[tilespmem:s9], [sflag:$0x1] =	stream.indirect_vreg.gather [hbm4b:s5+s3], $0x80, v4, vm0, $0xb8;
	[tilespmem:$0x18400] =	vst v63  }
0xbf: {  	s11 =	simm.s32 $0x1400;
	v3 =	vadd.s32 v1, v3  }
0xc0: {  	[tilespmem:s11], [sflag:$0x1] =	stream.indirect_vreg.gather [hbm4b:s6+s3], $0x80, v4, vm0, $0xb8;
	[tilespmem:$0x18400] =	vst v63  }
0xc1: {  	s19 =	simm.s32 $0x1C00  }
0xc2: {  	[tilespmem:s19], [sflag:$0x1] =	stream.indirect_vreg.gather [hbm4b:s8+s3], $0x80, v4, vm0, $0xb8;
	[tilespmem:$0x18400] =	vst v63  }
0xc3: {  	s9 =	simm.s32 $0x2400  }
0xc4: {  	[tilespmem:s9], [sflag:$0x1] =	stream.indirect_vreg.gather [hbm4b:s2+s3], $0x80, v3, vm0, $0xb8;
	[tilespmem:$0x18400] =	vst v63  }
0xc5: {  	s11 =	simm.s32 $0x2C00  }
0xc6: {  	[tilespmem:s11], [sflag:$0x1] =	stream.indirect_vreg.gather [hbm4b:s5+s3], $0x80, v3, vm0, $0xb8;
	[tilespmem:$0x18400] =	vst v63  }
0xc7: {  	s19 =	simm.s32 $0x3400  }
0xc8: {  	[tilespmem:s19], [sflag:$0x1] =	stream.indirect_vreg.gather [hbm4b:s6+s3], $0x80, v3, vm0, $0xb8;
	[tilespmem:$0x18400] =	vst v63  }
0xc9: {  	s9 =	simm.s32 $0x3C00  }
0xca: {  	[tilespmem:s9], [sflag:$0x1] =	stream.indirect_vreg.gather [hbm4b:s8+s3], $0x80, v3, vm0, $0xb8;
	[tilespmem:$0x18400] =	vst v63  }
0xcb: {  	_ =	swait.ge [sflag:s12], $0x4000  }
0xcc: {  	[sflag:s12] =	ssyncset.done $0x0  }
0xcd: {  	s11 =	sadd.s32 $0x2000, s28;
	s19 =	simm.s32 $0x10400;
	[sflag:s12] =	ssyncadd.s32 $0xFFFFC000  }
0xce: {  	[hbm4b:s11+s3] =	stream.linear.scatter [tilespmem:s19], [sflag:$0xB], $0x4000, $0x38;
	[tilespmem:$0x18400] =	vst v63  }
0xcf: {  	_ =	swait.ge [sflag:s22], $0x4000  }
0xd0: {  	[sflag:s22] =	ssyncset.done $0x0  }
0xd1: {  	[sflag:s22] =	ssyncadd.s32 $0xFFFFC000  }
0xd2: {  	v3 =	vld [tilespmem:s26+$0xFFFFFFC0];
	_ =	sdelay $0x4  }
0xd3: {  	v59 =	vshll.u32 v3, $0x3  }
0xd4: {  	v3 =	vand.u32 $0x7, v3;
	v4 =	vand.u32 $0xFFFFFFC0, v59  }
0xd5: {  	v3 =	vor.u32 v3, v4  }
0xd6: {  	v4 =	vperm.xlane v3, v0;
	_ =	sdelay $0x1  }
0xd7: {  	v4 =	vadd.s32 v1, v4;
	_ =	sdelay $0x3  }
0xd8: {  	s11 =	simm.s32 $0x4400  }
0xd9: {  	[tilespmem:s11], [sflag:$0x2] =	stream.indirect_vreg.gather [hbm4b:s2+s3], $0x80, v4, vm0, $0xb8;
	[tilespmem:$0x18400] =	vst v63  }
0xda: {  	s9 =	simm.s32 $0x4C00;
	v3 =	vperm.xlane v3, v2  }
0xdb: {  	[tilespmem:s9], [sflag:$0x2] =	stream.indirect_vreg.gather [hbm4b:s5+s3], $0x80, v4, vm0, $0xb8;
	[tilespmem:$0x18400] =	vst v63  }
0xdc: {  	v3 =	vadd.s32 v1, v3;
	s9 =	simm.s32 $0x5400  }
0xdd: {  	[tilespmem:s9], [sflag:$0x2] =	stream.indirect_vreg.gather [hbm4b:s6+s3], $0x80, v4, vm0, $0xb8;
	[tilespmem:$0x18400] =	vst v63  }
0xde: {  	s9 =	simm.s32 $0x5C00  }
0xdf: {  	[tilespmem:s9], [sflag:$0x2] =	stream.indirect_vreg.gather [hbm4b:s8+s3], $0x80, v4, vm0, $0xb8;
	[tilespmem:$0x18400] =	vst v63  }
0xe0: {  	s9 =	simm.s32 $0x6400  }
0xe1: {  	[tilespmem:s9], [sflag:$0x2] =	stream.indirect_vreg.gather [hbm4b:s2+s3], $0x80, v3, vm0, $0xb8;
	[tilespmem:$0x18400] =	vst v63  }
0xe2: {  	s9 =	simm.s32 $0x6C00  }
0xe3: {  	[tilespmem:s9], [sflag:$0x2] =	stream.indirect_vreg.gather [hbm4b:s5+s3], $0x80, v3, vm0, $0xb8;
	[tilespmem:$0x18400] =	vst v63  }
0xe4: {  	s9 =	simm.s32 $0x7400  }
0xe5: {  	[tilespmem:s9], [sflag:$0x2] =	stream.indirect_vreg.gather [hbm4b:s6+s3], $0x80, v3, vm0, $0xb8;
	[tilespmem:$0x18400] =	vst v63  }
0xe6: {  	s9 =	simm.s32 $0x7C00  }
0xe7: {  	[tilespmem:s9], [sflag:$0x2] =	stream.indirect_vreg.gather [hbm4b:s8+s3], $0x80, v3, vm0, $0xb8;
	[tilespmem:$0x18400] =	vst v63  }
0xe8: {  	_ =	swait.ge [sflag:s13], $0x4000  }
0xe9: {  	[sflag:s13] =	ssyncset.done $0x0  }
0xea: {  	s0 =	sadd.s32 $0x2800, s28;
	s9 =	simm.s32 $0x14400;
	[sflag:s13] =	ssyncadd.s32 $0xFFFFC000  }
0xeb: {  	[hbm4b:s0+s3] =	stream.linear.scatter [tilespmem:s9], [sflag:$0xC], $0x4000, $0x38;
	[tilespmem:$0x18400] =	vst v63  }
0xec: {  	_ =	swait.ge [sflag:s23], $0x4000  }
0xed: {  	[sflag:s23] =	ssyncset.done $0x0  }
0xee: {  	[sflag:s23] =	ssyncadd.s32 $0xFFFFC000  }
0xef: {  	v3 =	vld [tilespmem:s26+$0xFFFFFFD0];
	_ =	sdelay $0x4  }
0xf0: {  	v60 =	vshll.u32 v3, $0x3  }
0xf1: {  	v3 =	vand.u32 $0x7, v3;
	v4 =	vand.u32 $0xFFFFFFC0, v60  }
0xf2: {  	v3 =	vor.u32 v3, v4  }
0xf3: {  	v4 =	vperm.xlane v3, v0;
	_ =	sdelay $0x1  }
0xf4: {  	v4 =	vadd.s32 v1, v4;
	_ =	sdelay $0x3  }
0xf5: {  	s31 =	simm.s32 $0x8400  }
0xf6: {  	[tilespmem:s31], [sflag:$0x3] =	stream.indirect_vreg.gather [hbm4b:s2+s3], $0x80, v4, vm0, $0xb8;
	[tilespmem:$0x18400] =	vst v63  }
0xf7: {  	s0 =	simm.s32 $0x8C00;
	v3 =	vperm.xlane v3, v2  }
0xf8: {  	[tilespmem:s0], [sflag:$0x3] =	stream.indirect_vreg.gather [hbm4b:s5+s3], $0x80, v4, vm0, $0xb8;
	[tilespmem:$0x18400] =	vst v63  }
0xf9: {  	v3 =	vadd.s32 v1, v3;
	s0 =	simm.s32 $0x9400  }
0xfa: {  	[tilespmem:s0], [sflag:$0x3] =	stream.indirect_vreg.gather [hbm4b:s6+s3], $0x80, v4, vm0, $0xb8;
	[tilespmem:$0x18400] =	vst v63  }
0xfb: {  	s0 =	simm.s32 $0x9C00  }
0xfc: {  	[tilespmem:s0], [sflag:$0x3] =	stream.indirect_vreg.gather [hbm4b:s8+s3], $0x80, v4, vm0, $0xb8;
	[tilespmem:$0x18400] =	vst v63  }
0xfd: {  	s0 =	simm.s32 $0xA400  }
0xfe: {  	[tilespmem:s0], [sflag:$0x3] =	stream.indirect_vreg.gather [hbm4b:s2+s3], $0x80, v3, vm0, $0xb8;
	[tilespmem:$0x18400] =	vst v63  }
0xff: {  	s0 =	simm.s32 $0xAC00  }
0x100: {  	[tilespmem:s0], [sflag:$0x3] =	stream.indirect_vreg.gather [hbm4b:s5+s3], $0x80, v3, vm0, $0xb8;
	[tilespmem:$0x18400] =	vst v63  }
0x101: {  	s0 =	simm.s32 $0xB400  }
0x102: {  	[tilespmem:s0], [sflag:$0x3] =	stream.indirect_vreg.gather [hbm4b:s6+s3], $0x80, v3, vm0, $0xb8;
	[tilespmem:$0x18400] =	vst v63  }
0x103: {  	s0 =	simm.s32 $0xBC00  }
0x104: {  	[tilespmem:s0], [sflag:$0x3] =	stream.indirect_vreg.gather [hbm4b:s8+s3], $0x80, v3, vm0, $0xb8;
	[tilespmem:$0x18400] =	vst v63  }
0x105: {  	_ =	swait.ge [sflag:s7], $0x4000  }
0x106: {  	[sflag:s7] =	ssyncset.done $0x0  }
0x107: {  	s0 =	sadd.s32 $0x3000, s28;
	[sflag:s7] =	ssyncadd.s32 $0xFFFFC000  }
0x108: {  	[hbm4b:s0+s3] =	stream.linear.scatter [tilespmem:s29], [sflag:$0x7], $0x4000, $0x38;
	[tilespmem:$0x18400] =	vst v63  }
0x109: {  	_ =	swait.ge [sflag:s24], $0x4000  }
0x10a: {  	[sflag:s24] =	ssyncset.done $0x0  }
0x10b: {  	[sflag:s24] =	ssyncadd.s32 $0xFFFFC000  }
0x10c: {  	v3 =	vld [tilespmem:s26+$0xFFFFFFE0];
	_ =	sdelay $0x4  }
0x10d: {  	v61 =	vshll.u32 v3, $0x3  }
0x10e: {  	v3 =	vand.u32 $0x7, v3;
	v4 =	vand.u32 $0xFFFFFFC0, v61  }
0x10f: {  	v3 =	vor.u32 v3, v4  }
0x110: {  	v4 =	vperm.xlane v3, v0;
	_ =	sdelay $0x1  }
0x111: {  	v4 =	vadd.s32 v1, v4;
	_ =	sdelay $0x4  }
0x112: {  	[tilespmem:s15], [sflag:$0x4] =	stream.indirect_vreg.gather [hbm4b:s2+s3], $0x80, v4, vm0, $0xb8;
	[tilespmem:$0x18400] =	vst v63  }
0x113: {  	s0 =	simm.s32 $0xCC00;
	v3 =	vperm.xlane v3, v2  }
0x114: {  	[tilespmem:s0], [sflag:$0x4] =	stream.indirect_vreg.gather [hbm4b:s5+s3], $0x80, v4, vm0, $0xb8;
	[tilespmem:$0x18400] =	vst v63  }
0x115: {  	v3 =	vadd.s32 v1, v3;
	s0 =	simm.s32 $0xD400  }
0x116: {  	[tilespmem:s0], [sflag:$0x4] =	stream.indirect_vreg.gather [hbm4b:s6+s3], $0x80, v4, vm0, $0xb8;
	[tilespmem:$0x18400] =	vst v63  }
0x117: {  	s0 =	simm.s32 $0xDC00  }
0x118: {  	[tilespmem:s0], [sflag:$0x4] =	stream.indirect_vreg.gather [hbm4b:s8+s3], $0x80, v4, vm0, $0xb8;
	[tilespmem:$0x18400] =	vst v63  }
0x119: {  	s0 =	simm.s32 $0xE400  }
0x11a: {  	[tilespmem:s0], [sflag:$0x4] =	stream.indirect_vreg.gather [hbm4b:s2+s3], $0x80, v3, vm0, $0xb8;
	[tilespmem:$0x18400] =	vst v63  }
0x11b: {  	s0 =	simm.s32 $0xEC00  }
0x11c: {  	[tilespmem:s0], [sflag:$0x4] =	stream.indirect_vreg.gather [hbm4b:s5+s3], $0x80, v3, vm0, $0xb8;
	[tilespmem:$0x18400] =	vst v63  }
0x11d: {  	s0 =	simm.s32 $0xF400  }
0x11e: {  	[tilespmem:s0], [sflag:$0x4] =	stream.indirect_vreg.gather [hbm4b:s6+s3], $0x80, v3, vm0, $0xb8;
	[tilespmem:$0x18400] =	vst v63  }
0x11f: {  	s0 =	simm.s32 $0xFC00  }
0x120: {  	[tilespmem:s0], [sflag:$0x4] =	stream.indirect_vreg.gather [hbm4b:s8+s3], $0x80, v3, vm0, $0xb8;
	[tilespmem:$0x18400] =	vst v63  }
0x121: {  	_ =	swait.ge [sflag:s30], $0x4000  }
0x122: {  	[sflag:s30] =	ssyncset.done $0x0  }
0x123: {  	s0 =	sadd.s32 $0x3800, s28;
	[sflag:s30] =	ssyncadd.s32 $0xFFFFC000  }
0x124: {  	[hbm4b:s0+s3] =	stream.linear.scatter [tilespmem:s11], [sflag:$0x8], $0x4000, $0x38;
	[tilespmem:$0x18400] =	vst v63  }
0x125: {  	_ =	swait.ge [sflag:s25], $0x4000  }
0x126: {  	[sflag:s25] =	ssyncset.done $0x0  }
0x127: {  	[sflag:s25] =	ssyncadd.s32 $0xFFFFC000  }
0x128: {  	v3 =	vld [tilespmem:s26+$0xFFFFFFF0];
	_ =	sdelay $0x4  }
0x129: {  	v62 =	vshll.u32 v3, $0x3  }
0x12a: {  	v3 =	vand.u32 $0x7, v3;
	v4 =	vand.u32 $0xFFFFFFC0, v62  }
0x12b: {  	v3 =	vor.u32 v3, v4  }
0x12c: {  	v4 =	vperm.xlane v3, v0;
	_ =	sdelay $0x1  }
0x12d: {  	v4 =	vadd.s32 v1, v4;
	_ =	sdelay $0x4  }
0x12e: {  	[tilespmem:s19], [sflag:$0x5] =	stream.indirect_vreg.gather [hbm4b:s2+s3], $0x80, v4, vm0, $0xb8;
	[tilespmem:$0x18400] =	vst v63  }
0x12f: {  	v3 =	vperm.xlane v3, v2;
	s19 =	simm.s32 $0x10C00  }
0x130: {  	[tilespmem:s19], [sflag:$0x5] =	stream.indirect_vreg.gather [hbm4b:s5+s3], $0x80, v4, vm0, $0xb8;
	[tilespmem:$0x18400] =	vst v63  }
0x131: {  	s11 =	simm.s32 $0x11400;
	v3 =	vadd.s32 v1, v3  }
0x132: {  	[tilespmem:s11], [sflag:$0x5] =	stream.indirect_vreg.gather [hbm4b:s6+s3], $0x80, v4, vm0, $0xb8;
	[tilespmem:$0x18400] =	vst v63  }
0x133: {  	s19 =	simm.s32 $0x11C00  }
0x134: {  	[tilespmem:s19], [sflag:$0x5] =	stream.indirect_vreg.gather [hbm4b:s8+s3], $0x80, v4, vm0, $0xb8;
	[tilespmem:$0x18400] =	vst v63  }
0x135: {  	s11 =	simm.s32 $0x12400  }
0x136: {  	[tilespmem:s11], [sflag:$0x5] =	stream.indirect_vreg.gather [hbm4b:s2+s3], $0x80, v3, vm0, $0xb8;
	[tilespmem:$0x18400] =	vst v63  }
0x137: {  	s19 =	simm.s32 $0x12C00  }
0x138: {  	[tilespmem:s19], [sflag:$0x5] =	stream.indirect_vreg.gather [hbm4b:s5+s3], $0x80, v3, vm0, $0xb8;
	[tilespmem:$0x18400] =	vst v63  }
0x139: {  	s15 =	simm.s32 $0x13400  }
0x13a: {  	[tilespmem:s15], [sflag:$0x5] =	stream.indirect_vreg.gather [hbm4b:s6+s3], $0x80, v3, vm0, $0xb8;
	[tilespmem:$0x18400] =	vst v63  }
0x13b: {  	_ = 	snop  }
0x13c: {  	[tilespmem:s4], [sflag:$0x5] =	stream.indirect_vreg.gather [hbm4b:s8+s3], $0x80, v3, vm0, $0xb8;
	[tilespmem:$0x18400] =	vst v63  }
0x13d: {  	_ =	swait.ge [sflag:s14], $0x4000  }
0x13e: {  	[sflag:s14] =	ssyncset.done $0x0  }
0x13f: {  	s28 =	sadd.s32 $0x4000, s28;
	[sflag:s14] =	ssyncadd.s32 $0xFFFFC000  }
0x140: {  	[hbm4b:s28+s3] =	stream.linear.scatter [tilespmem:s31], [sflag:$0x9], $0x4000, $0x38;
	[tilespmem:$0x18400] =	vst v63  }
0x141: {  	_ =	swait.ge [sflag:s1], $0x4000  }
0x142: {  	[sflag:s1] =	ssyncset.done $0x0  }
0x143: {  	[sflag:s1] =	ssyncadd.s32 $0xFFFFC000  }
0x144: {  	v3 =	vld [tilespmem:s26+$0x0];
	_ =	sdelay $0x4  }
0x145: {  	v63 =	vshll.u32 v3, $0x3  }
0x146: {  	v3 =	vand.u32 $0x7, v3;
	v4 =	vand.u32 $0xFFFFFFC0, v63  }
0x147: {  	v3 =	vor.u32 v3, v4  }
0x148: {  	v4 =	vperm.xlane v3, v0;
	_ =	sdelay $0x1  }
0x149: {  	v4 =	vadd.s32 v1, v4;
	_ =	sdelay $0x4  }
0x14a: {  	[tilespmem:s9], [sflag:$0x6] =	stream.indirect_vreg.gather [hbm4b:s2+s3], $0x80, v4, vm0, $0xb8;
	[tilespmem:$0x18400] =	vst v63  }
0x14b: {  	v3 =	vperm.xlane v3, v2;
	s9 =	simm.s32 $0x14C00  }
0x14c: {  	[tilespmem:s9], [sflag:$0x6] =	stream.indirect_vreg.gather [hbm4b:s5+s3], $0x80, v4, vm0, $0xb8;
	[tilespmem:$0x18400] =	vst v63  }
0x14d: {  	s11 =	simm.s32 $0x15400;
	v3 =	vadd.s32 v1, v3  }
0x14e: {  	[tilespmem:s11], [sflag:$0x6] =	stream.indirect_vreg.gather [hbm4b:s6+s3], $0x80, v4, vm0, $0xb8;
	[tilespmem:$0x18400] =	vst v63  }
0x14f: {  	s19 =	simm.s32 $0x15C00  }
0x150: {  	[tilespmem:s19], [sflag:$0x6] =	stream.indirect_vreg.gather [hbm4b:s8+s3], $0x80, v4, vm0, $0xb8;
	[tilespmem:$0x18400] =	vst v63  }
0x151: {  	s28 =	simm.s32 $0x16400  }
0x152: {  	[tilespmem:s28], [sflag:$0x6] =	stream.indirect_vreg.gather [hbm4b:s2+s3], $0x80, v3, vm0, $0xb8;
	[tilespmem:$0x18400] =	vst v63  }
0x153: {  	p0 =	sne.s32 s16, $0x18000  }
0x154: {  	[tilespmem:s18], [sflag:$0x6] =	stream.indirect_vreg.gather [hbm4b:s5+s3], $0x80, v3, vm0, $0xb8;
	[tilespmem:$0x18400] =	vst v63  }
.Ltmp0:
0x155: {  	_ = 	snop;
	(pc) =	sbr.rel @p0 .LBB2_2-.Ltmp0, $4  }
0x156: {  	s16 =	sadd.s32 $0x3000, s16  }
0x157: {  	[tilespmem:s20], [sflag:$0x6] =	stream.indirect_vreg.gather [hbm4b:s6+s3], $0x80, v3, vm0, $0xb8;
	[tilespmem:$0x18400] =	vst v63  }
0x158: {  	s29 =	simm.s32 $0x10400;
	s31 =	simm.s32 $0x14400;
	s26 =	sadd.s32 $0x60, s26  }
0x159: {  	[tilespmem:s17], [sflag:$0x6] =	stream.indirect_vreg.gather [hbm4b:s8+s3], $0x80, v3, vm0, $0xb8;
	[tilespmem:$0x18400] =	vst v63  }
0x15a: {  	_ =	swait.ge [sflag:s10], $0x4000  }
0x15b: {  	[sflag:s10] =	ssyncset.done $0x0  }
0x15c: {  	s16 =	simm.s32 $0xC400;
	s0 =	rddreg [dreg:$0x9];
	[sflag:s10] =	ssyncadd.s32 $0xFFFFC000  }
0x15d: {  	[hbm4b:s0+s3] =	stream.linear.scatter [tilespmem:s16], [sflag:$0xA], $0x4000, $0x38;
	[tilespmem:$0x18400] =	vst v63  }
0x15e: {  	_ =	swait.ge [sflag:s21], $0x4000  }
0x15f: {  	[sflag:s21] =	ssyncset.done $0x0  }
0x160: {  	[sflag:s21] =	ssyncadd.s32 $0xFFFFC000  }
0x161: {  	v3 =	vld [tilespmem:$0x3C0];
	_ =	sdelay $0x4  }
0x162: {  	v4 =	vshll.u32 v3, $0x3  }
0x163: {  	v3 =	vand.u32 $0x7, v3;
	v4 =	vand.u32 $0xFFFFFFC0, v4  }
0x164: {  	v3 =	vor.u32 v3, v4  }
0x165: {  	v4 =	vperm.xlane v3, v0;
	_ =	sdelay $0x1  }
0x166: {  	v4 =	vadd.s32 v1, v4;
	_ =	sdelay $0x3  }
0x167: {  	s4 =	simm.s32 $0x400  }
0x168: {  	[tilespmem:s4], [sflag:$0x1] =	stream.indirect_vreg.gather [hbm4b:s2+s3], $0x80, v4, vm0, $0xb8;
	[tilespmem:$0x18400] =	vst v63  }
0x169: {  	s9 =	simm.s32 $0xC00;
	v3 =	vperm.xlane v3, v2  }
0x16a: {  	[tilespmem:s9], [sflag:$0x1] =	stream.indirect_vreg.gather [hbm4b:s5+s3], $0x80, v4, vm0, $0xb8;
	[tilespmem:$0x18400] =	vst v63  }
0x16b: {  	s11 =	simm.s32 $0x1400;
	v3 =	vadd.s32 v1, v3  }
0x16c: {  	[tilespmem:s11], [sflag:$0x1] =	stream.indirect_vreg.gather [hbm4b:s6+s3], $0x80, v4, vm0, $0xb8;
	[tilespmem:$0x18400] =	vst v63  }
0x16d: {  	s17 =	simm.s32 $0x1C00  }
0x16e: {  	[tilespmem:s17], [sflag:$0x1] =	stream.indirect_vreg.gather [hbm4b:s8+s3], $0x80, v4, vm0, $0xb8;
	[tilespmem:$0x18400] =	vst v63  }
0x16f: {  	s18 =	simm.s32 $0x2400  }
0x170: {  	[tilespmem:s18], [sflag:$0x1] =	stream.indirect_vreg.gather [hbm4b:s2+s3], $0x80, v3, vm0, $0xb8;
	[tilespmem:$0x18400] =	vst v63  }
0x171: {  	s19 =	simm.s32 $0x2C00  }
0x172: {  	[tilespmem:s19], [sflag:$0x1] =	stream.indirect_vreg.gather [hbm4b:s5+s3], $0x80, v3, vm0, $0xb8;
	[tilespmem:$0x18400] =	vst v63  }
0x173: {  	s20 =	simm.s32 $0x3400  }
0x174: {  	[tilespmem:s20], [sflag:$0x1] =	stream.indirect_vreg.gather [hbm4b:s6+s3], $0x80, v3, vm0, $0xb8;
	[tilespmem:$0x18400] =	vst v63  }
0x175: {  	s26 =	simm.s32 $0x3C00  }
0x176: {  	[tilespmem:s26], [sflag:$0x1] =	stream.indirect_vreg.gather [hbm4b:s8+s3], $0x80, v3, vm0, $0xb8;
	[tilespmem:$0x18400] =	vst v63  }
0x177: {  	_ =	swait.ge [sflag:s12], $0x4000  }
0x178: {  	[sflag:s12] =	ssyncset.done $0x0  }
0x179: {  	s9 =	rddreg [dreg:$0xa];
	[sflag:s12] =	ssyncadd.s32 $0xFFFFC000  }
0x17a: {  	[hbm4b:s9+s3] =	stream.linear.scatter [tilespmem:s29], [sflag:$0xB], $0x4000, $0x38;
	[tilespmem:$0x18400] =	vst v63  }
0x17b: {  	_ =	swait.ge [sflag:s22], $0x4000  }
0x17c: {  	[sflag:s22] =	ssyncset.done $0x0  }
0x17d: {  	[sflag:s22] =	ssyncadd.s32 $0xFFFFC000  }
0x17e: {  	v3 =	vld [tilespmem:$0x3D0];
	_ =	sdelay $0x4  }
0x17f: {  	v61 =	vshll.u32 v3, $0x3  }
0x180: {  	v3 =	vand.u32 $0x7, v3;
	v4 =	vand.u32 $0xFFFFFFC0, v61  }
0x181: {  	v3 =	vor.u32 v3, v4  }
0x182: {  	v4 =	vperm.xlane v3, v0;
	_ =	sdelay $0x1  }
0x183: {  	v4 =	vadd.s32 v1, v4;
	_ =	sdelay $0x3  }
0x184: {  	s9 =	simm.s32 $0x4400  }
0x185: {  	[tilespmem:s9], [sflag:$0x2] =	stream.indirect_vreg.gather [hbm4b:s2+s3], $0x80, v4, vm0, $0xb8;
	[tilespmem:$0x18400] =	vst v63  }
0x186: {  	s11 =	simm.s32 $0x4C00;
	v3 =	vperm.xlane v3, v2  }
0x187: {  	[tilespmem:s11], [sflag:$0x2] =	stream.indirect_vreg.gather [hbm4b:s5+s3], $0x80, v4, vm0, $0xb8;
	[tilespmem:$0x18400] =	vst v63  }
0x188: {  	s17 =	simm.s32 $0x5400;
	v3 =	vadd.s32 v1, v3  }
0x189: {  	[tilespmem:s17], [sflag:$0x2] =	stream.indirect_vreg.gather [hbm4b:s6+s3], $0x80, v4, vm0, $0xb8;
	[tilespmem:$0x18400] =	vst v63  }
0x18a: {  	s18 =	simm.s32 $0x5C00  }
0x18b: {  	[tilespmem:s18], [sflag:$0x2] =	stream.indirect_vreg.gather [hbm4b:s8+s3], $0x80, v4, vm0, $0xb8;
	[tilespmem:$0x18400] =	vst v63  }
0x18c: {  	s19 =	simm.s32 $0x6400  }
0x18d: {  	[tilespmem:s19], [sflag:$0x2] =	stream.indirect_vreg.gather [hbm4b:s2+s3], $0x80, v3, vm0, $0xb8;
	[tilespmem:$0x18400] =	vst v63  }
0x18e: {  	s20 =	simm.s32 $0x6C00  }
0x18f: {  	[tilespmem:s20], [sflag:$0x2] =	stream.indirect_vreg.gather [hbm4b:s5+s3], $0x80, v3, vm0, $0xb8;
	[tilespmem:$0x18400] =	vst v63  }
0x190: {  	s26 =	simm.s32 $0x7400  }
0x191: {  	[tilespmem:s26], [sflag:$0x2] =	stream.indirect_vreg.gather [hbm4b:s6+s3], $0x80, v3, vm0, $0xb8;
	[tilespmem:$0x18400] =	vst v63  }
0x192: {  	s11 =	simm.s32 $0x7C00  }
0x193: {  	[tilespmem:s11], [sflag:$0x2] =	stream.indirect_vreg.gather [hbm4b:s8+s3], $0x80, v3, vm0, $0xb8;
	[tilespmem:$0x18400] =	vst v63  }
0x194: {  	_ =	swait.ge [sflag:s13], $0x4000  }
0x195: {  	[sflag:s13] =	ssyncset.done $0x0  }
0x196: {  	s17 =	rddreg [dreg:$0xb];
	[sflag:s13] =	ssyncadd.s32 $0xFFFFC000  }
0x197: {  	[hbm4b:s17+s3] =	stream.linear.scatter [tilespmem:s31], [sflag:$0xC], $0x4000, $0x38;
	[tilespmem:$0x18400] =	vst v63  }
0x198: {  	_ =	swait.ge [sflag:s23], $0x4000  }
0x199: {  	[sflag:s23] =	ssyncset.done $0x0  }
0x19a: {  	[sflag:s23] =	ssyncadd.s32 $0xFFFFC000  }
0x19b: {  	v3 =	vld [tilespmem:$0x3E0];
	_ =	sdelay $0x4  }
0x19c: {  	v62 =	vshll.u32 v3, $0x3  }
0x19d: {  	v3 =	vand.u32 $0x7, v3;
	v4 =	vand.u32 $0xFFFFFFC0, v62  }
0x19e: {  	v3 =	vor.u32 v3, v4  }
0x19f: {  	v4 =	vperm.xlane v3, v0;
	_ =	sdelay $0x1  }
0x1a0: {  	v4 =	vadd.s32 v1, v4;
	_ =	sdelay $0x3  }
0x1a1: {  	s11 =	simm.s32 $0x8400  }
0x1a2: {  	[tilespmem:s11], [sflag:$0x3] =	stream.indirect_vreg.gather [hbm4b:s2+s3], $0x80, v4, vm0, $0xb8;
	[tilespmem:$0x18400] =	vst v63  }
0x1a3: {  	s18 =	simm.s32 $0x8C00;
	v3 =	vperm.xlane v3, v2  }
0x1a4: {  	[tilespmem:s18], [sflag:$0x3] =	stream.indirect_vreg.gather [hbm4b:s5+s3], $0x80, v4, vm0, $0xb8;
	[tilespmem:$0x18400] =	vst v63  }
0x1a5: {  	s19 =	simm.s32 $0x9400;
	v3 =	vadd.s32 v1, v3  }
0x1a6: {  	[tilespmem:s19], [sflag:$0x3] =	stream.indirect_vreg.gather [hbm4b:s6+s3], $0x80, v4, vm0, $0xb8;
	[tilespmem:$0x18400] =	vst v63  }
0x1a7: {  	s20 =	simm.s32 $0x9C00  }
0x1a8: {  	[tilespmem:s20], [sflag:$0x3] =	stream.indirect_vreg.gather [hbm4b:s8+s3], $0x80, v4, vm0, $0xb8;
	[tilespmem:$0x18400] =	vst v63  }
0x1a9: {  	s26 =	simm.s32 $0xA400  }
0x1aa: {  	[tilespmem:s26], [sflag:$0x3] =	stream.indirect_vreg.gather [hbm4b:s2+s3], $0x80, v3, vm0, $0xb8;
	[tilespmem:$0x18400] =	vst v63  }
0x1ab: {  	s17 =	simm.s32 $0xAC00  }
0x1ac: {  	[tilespmem:s17], [sflag:$0x3] =	stream.indirect_vreg.gather [hbm4b:s5+s3], $0x80, v3, vm0, $0xb8;
	[tilespmem:$0x18400] =	vst v63  }
0x1ad: {  	s18 =	simm.s32 $0xB400  }
0x1ae: {  	[tilespmem:s18], [sflag:$0x3] =	stream.indirect_vreg.gather [hbm4b:s6+s3], $0x80, v3, vm0, $0xb8;
	[tilespmem:$0x18400] =	vst v63  }
0x1af: {  	s19 =	simm.s32 $0xBC00  }
0x1b0: {  	[tilespmem:s19], [sflag:$0x3] =	stream.indirect_vreg.gather [hbm4b:s8+s3], $0x80, v3, vm0, $0xb8;
	[tilespmem:$0x18400] =	vst v63  }
0x1b1: {  	_ =	swait.ge [sflag:s7], $0x4000  }
0x1b2: {  	[sflag:s7] =	ssyncset.done $0x0  }
0x1b3: {  	s20 =	rddreg [dreg:$0xc];
	[sflag:s7] =	ssyncadd.s32 $0xFFFFC000  }
0x1b4: {  	[hbm4b:s20+s3] =	stream.linear.scatter [tilespmem:s4], [sflag:$0x7], $0x4000, $0x38;
	[tilespmem:$0x18400] =	vst v63  }
0x1b5: {  	_ =	swait.ge [sflag:s24], $0x4000  }
0x1b6: {  	[sflag:s24] =	ssyncset.done $0x0  }
0x1b7: {  	[sflag:s24] =	ssyncadd.s32 $0xFFFFC000  }
0x1b8: {  	v3 =	vld [tilespmem:$0x3F0];
	_ =	sdelay $0x4  }
0x1b9: {  	v63 =	vshll.u32 v3, $0x3  }
0x1ba: {  	v3 =	vand.u32 $0x7, v3;
	v4 =	vand.u32 $0xFFFFFFC0, v63  }
0x1bb: {  	v3 =	vor.u32 v3, v4  }
0x1bc: {  	v4 =	vperm.xlane v3, v0;
	_ =	sdelay $0x1  }
0x1bd: {  	v4 =	vadd.s32 v1, v4;
	_ =	sdelay $0x4  }
0x1be: {  	[tilespmem:s16], [sflag:$0x4] =	stream.indirect_vreg.gather [hbm4b:s2+s3], $0x80, v4, vm0, $0xb8;
	[tilespmem:$0x18400] =	vst v63  }
0x1bf: {  	s26 =	simm.s32 $0xCC00;
	v3 =	vperm.xlane v3, v2  }
0x1c0: {  	[tilespmem:s26], [sflag:$0x4] =	stream.indirect_vreg.gather [hbm4b:s5+s3], $0x80, v4, vm0, $0xb8;
	[tilespmem:$0x18400] =	vst v63  }
0x1c1: {  	s4 =	simm.s32 $0xD400;
	v3 =	vadd.s32 v1, v3  }
0x1c2: {  	[tilespmem:s4], [sflag:$0x4] =	stream.indirect_vreg.gather [hbm4b:s6+s3], $0x80, v4, vm0, $0xb8;
	[tilespmem:$0x18400] =	vst v63  }
0x1c3: {  	s17 =	simm.s32 $0xDC00  }
0x1c4: {  	[tilespmem:s17], [sflag:$0x4] =	stream.indirect_vreg.gather [hbm4b:s8+s3], $0x80, v4, vm0, $0xb8;
	[tilespmem:$0x18400] =	vst v63  }
0x1c5: {  	s18 =	simm.s32 $0xE400  }
0x1c6: {  	[tilespmem:s18], [sflag:$0x4] =	stream.indirect_vreg.gather [hbm4b:s2+s3], $0x80, v3, vm0, $0xb8;
	[tilespmem:$0x18400] =	vst v63  }
0x1c7: {  	s19 =	simm.s32 $0xEC00  }
0x1c8: {  	[tilespmem:s19], [sflag:$0x4] =	stream.indirect_vreg.gather [hbm4b:s5+s3], $0x80, v3, vm0, $0xb8;
	[tilespmem:$0x18400] =	vst v63  }
0x1c9: {  	s20 =	simm.s32 $0xF400  }
0x1ca: {  	[tilespmem:s20], [sflag:$0x4] =	stream.indirect_vreg.gather [hbm4b:s6+s3], $0x80, v3, vm0, $0xb8;
	[tilespmem:$0x18400] =	vst v63  }
0x1cb: {  	s26 =	simm.s32 $0xFC00  }
0x1cc: {  	[tilespmem:s26], [sflag:$0x4] =	stream.indirect_vreg.gather [hbm4b:s8+s3], $0x80, v3, vm0, $0xb8;
	[tilespmem:$0x18400] =	vst v63  }
0x1cd: {  	_ =	swait.ge [sflag:s30], $0x4000  }
0x1ce: {  	[sflag:s30] =	ssyncset.done $0x0  }
0x1cf: {  	s4 =	rddreg [dreg:$0xd];
	[sflag:s30] =	ssyncadd.s32 $0xFFFFC000  }
0x1d0: {  	[hbm4b:s4+s3] =	stream.linear.scatter [tilespmem:s9], [sflag:$0x8], $0x4000, $0x38;
	[tilespmem:$0x18400] =	vst v63  }
0x1d1: {  	_ =	swait.ge [sflag:s25], $0x4000  }
0x1d2: {  	[sflag:s25] =	ssyncset.done $0x0  }
0x1d3: {  	[sflag:s25] =	ssyncadd.s32 $0xFFFFC000  }
0x1d4: {  	_ =	swait.ge [sflag:s14], $0x4000  }
0x1d5: {  	[sflag:s14] =	ssyncset.done $0x0  }
0x1d6: {  	s17 =	rddreg [dreg:$0xe];
	[sflag:s14] =	ssyncadd.s32 $0xFFFFC000  }
0x1d7: {  	[hbm4b:s17+s3] =	stream.linear.scatter [tilespmem:s11], [sflag:$0x9], $0x4000, $0x38;
	[tilespmem:$0x18400] =	vst v63  }
0x1d8: {  	_ =	swait.ge [sflag:s1], $0x4000  }
0x1d9: {  	[sflag:s1] =	ssyncset.done $0x0  }
0x1da: {  	[sflag:s1] =	ssyncadd.s32 $0xFFFFC000  }
0x1db: {  	_ =	swait.ge [sflag:s10], $0x4000  }
0x1dc: {  	[sflag:s10] =	ssyncset.done $0x0  }
0x1dd: {  	s18 =	rddreg [dreg:$0xf];
	[sflag:s10] =	ssyncadd.s32 $0xFFFFC000  }
0x1de: {  	[hbm4b:s18+s3] =	stream.linear.scatter [tilespmem:s16], [sflag:$0xA], $0x4000, $0x38;
	[tilespmem:$0x18400] =	vst v63  }
0x1df: {  	_ =	swait.ge [sflag:s21], $0x4000  }
0x1e0: {  	[sflag:s21] =	ssyncset.done $0x0  }
0x1e1: {  	[sflag:s21] =	ssyncadd.s32 $0xFFFFC000  }
0x1e2: {  	_ =	swait.ge [sflag:s22], $0x4000  }
0x1e3: {  	[sflag:s22] =	ssyncset.done $0x0  }
0x1e4: {  	[sflag:s22] =	ssyncadd.s32 $0xFFFFC000  }
0x1e5: {  	_ =	swait.ge [sflag:s23], $0x4000  }
0x1e6: {  	[sflag:s23] =	ssyncset.done $0x0  }
0x1e7: {  	[sflag:s23] =	ssyncadd.s32 $0xFFFFC000  }
0x1e8: {  	_ =	swait.ge [sflag:s24], $0x4000  }
0x1e9: {  	s20 =	rddreg [dreg:$0x11]  }
0x1ea: {  	s26 =	rddreg [dreg:$0x10];
	s11 =	sadd.s32 $0x1, s20  }
0x1eb: {  	p0 =	sne.s32 s11, s26  }
.Ltmp1:
0x1ec: {  	_ = 	snop;
	(pc) =	sbr.rel @p0 .LBB2_1-.Ltmp1, $4  }
0x1ed: {  	_ = 	snop  }
0x1ee: {  	s28 =	simm.s32 $0x13C00;
	s19 =	simm.s32 $0xC400;
	s4 =	simm.s32 $0x11400  }
0x1ef: {  	s9 =	simm.s32 $0x12400;
	s17 =	simm.s32 $0x11C00;
	[sflag:s24] =	ssyncset.done $0x0  }
0x1f0: {  	s16 =	simm.s32 $0x10C00;
	s18 =	simm.s32 $0x12C00;
	[sflag:s24] =	ssyncadd.s32 $0xFFFFC000  }
0x1f1: {  	_ =	sfence.sel $0x180000  }
0x1f2: {  	[bflag:$0x0] =	sbarrier.arrive $0xFFFF  }
0x1f3: {  	_ =	strace $0x90000047  }
0x1f4: {  	s0 =	stileid.u32;
	[bflag:$0x2] =	sbarrier.arrive $0xFFFF  }
0x1f5: {  	p0 =	sne.s32 s0, $0x0;
	s0 =	rddreg [dreg:$0x3]  }
0x1f6: {  	s0 =	sadd.s32 @!p0 $0x100000, s0  }
0x1f7: {  	[sflag:s0] =	ssyncadd.tile.s32 @!p0 $0x1;
	_ =	shalt  }
.Lfunc_end2:
_tile_overlayer_lowered:
.L_overlay_start_2:
0x1f8: {  	(tag) =	ssettag $0x2  }
0x1f9: {  	s0 =	rddreg [dreg:$0x0];
	s2 =	stileid.u32  }
0x1fa: {  	s1 =	rddreg [dreg:$0x1];
	p0 =	sne.s32 s2, $0x0  }
0x1fb: {  	s3 =	rddreg [dreg:$0x2];
	[bflag:$0x3] =	sbarrier.arrive $0xFFFF;
	s2 =	simm.s32 @!p0 $0x1C0D  }
0x1fc: {  	[timem:s3], [sflag:s2] =	dma.local @!p0 [hbm:s0], s1  }
0x1fd: {  	s0 =	simm.s32 @!p0 $0xD  }
0x1fe: {  	_ =	swait.ge @!p0 [sflag:s0], s1  }
0x1ff: {  	s1 =	ssub.s32 @!p0 $0x0, s1;
	[sflag:s0] =	ssyncset.done @!p0 $0x0  }
0x200: {  	[sflag:s0] =	ssyncadd.s32 @!p0 s1  }
0x201: {  	[bflag:$0x3] =	sbarrier.arrive $0xFFFF  }
0x202: {  	_ =	shalt  }

</sc_bundles>
